<compile_context>
chip_gen: v7x
topology: tpu7x:2x2x1
jax: 0.10.2.dev20260603
libtpu: 0.0.44.dev20260713+nightly
codegen_flags: <defaults>
</compile_context>

<pallas_src>
import functools

import jax
import jax.numpy as jnp
from jax import lax
from jax.experimental import pallas as pl
from jax.experimental.pallas import tpu as pltpu
from jax.experimental.pallas import tpu_sc as plsc

N = 10000
E = 320000
D = 128
R = 16
L = 2

NP = 10240
NTILE = NP // 16
EDIR = 2 * E
CHUNK = 128
NW = 32
EP = ((EDIR + NW * CHUNK - 1) // (NW * CHUNK)) * (NW * CHUNK)
EPW = EP // NW
NCHUNK = EPW // CHUNK
NC32 = NP * 32

_mesh = plsc.VectorSubcoreMesh(core_axis_name="c", subcore_axis_name="s")


def _zero_vec(ref, nvec):
  z = jnp.zeros((16,), jnp.float32)

  def body(i, _):
    ref[pl.ds(i * 16, 16)] = z
    return 0

  lax.fori_loop(0, nvec, body, 0)


@functools.partial(
    pl.kernel,
    out_type=jax.ShapeDtypeStruct((2 * NP,), jnp.float32),
    mesh=_mesh,
    scratch_types=[
        pltpu.VMEM_SHARED((NP,), jnp.float32),
        pltpu.VMEM((CHUNK,), jnp.int32),
        pltpu.VMEM((CHUNK,), jnp.float32),
        pltpu.VMEM((NTILE,), jnp.float32),
    ],
)
def _sc_degree(dst_hbm, deg_out, deg_sh, dbuf, ones, zbuf):
  c = lax.axis_index("c")
  s = lax.axis_index("s")
  wid = c * 16 + s
  one = jnp.ones((16,), jnp.float32)
  for g in range(CHUNK // 16):
    ones[pl.ds(g * 16, 16)] = one
  _zero_vec(zbuf, NTILE // 16)
  pltpu.sync_copy(zbuf, deg_sh.at[pl.ds(s * NTILE, NTILE)])
  plsc.subcore_barrier()

  base0 = wid * EPW

  def chunk(t, _):
    pltpu.sync_copy(dst_hbm.at[pl.ds(base0 + t * CHUNK, CHUNK)], dbuf)
    pltpu.sync_copy(ones, deg_sh.at[dbuf], add=True)
    return 0

  lax.fori_loop(0, NCHUNK, chunk, 0)
  plsc.subcore_barrier()
  pltpu.sync_copy(
      deg_sh.at[pl.ds(s * NTILE, NTILE)],
      deg_out.at[pl.ds(c * NP + s * NTILE, NTILE)],
  )


@functools.partial(
    pl.kernel,
    out_type=jax.ShapeDtypeStruct((2 * NC32,), jnp.float32),
    mesh=_mesh,
    scratch_types=[
        pltpu.VMEM_SHARED((NC32,), jnp.float32),
        pltpu.VMEM_SHARED((NP,), jnp.float32),
        pltpu.VMEM((CHUNK,), jnp.int32),
        pltpu.VMEM((CHUNK,), jnp.int32),
        pltpu.VMEM((CHUNK,), jnp.float32),
        pltpu.VMEM((2048,), jnp.float32),
        pltpu.SemaphoreType.DMA,
    ],
)
def _sc_ctable(src_hbm, flatc_hbm, s_hbm, c_out, c_sh, s_sh, sbuf, fbuf, vbuf,
               zbuf, sem):
  c = lax.axis_index("c")
  s = lax.axis_index("s")
  wid = c * 16 + s
  pltpu.sync_copy(s_hbm.at[pl.ds(s * NTILE, NTILE)],
                  s_sh.at[pl.ds(s * NTILE, NTILE)])
  _zero_vec(zbuf, 2048 // 16)
  csl = NC32 // 16

  def zloop(j, _):
    pltpu.sync_copy(zbuf, c_sh.at[pl.ds(s * csl + j * 2048, 2048)])
    return 0

  lax.fori_loop(0, csl // 2048, zloop, 0)
  plsc.subcore_barrier()

  base0 = wid * EPW

  def chunk(t, _):
    base = base0 + t * CHUNK
    pltpu.sync_copy(src_hbm.at[pl.ds(base, CHUNK)], sbuf)
    pltpu.sync_copy(flatc_hbm.at[pl.ds(base, CHUNK)], fbuf)
    pltpu.async_copy(s_sh.at[sbuf], vbuf, sem).wait()
    pltpu.sync_copy(vbuf, c_sh.at[fbuf], add=True)
    return 0

  lax.fori_loop(0, NCHUNK, chunk, 0)
  plsc.subcore_barrier()
  pltpu.sync_copy(
      c_sh.at[pl.ds(s * csl, csl)],
      c_out.at[pl.ds(c * NC32 + s * csl, csl)],
  )


@functools.partial(
    pl.kernel,
    out_type=jax.ShapeDtypeStruct((2 * NP, D), jnp.float32),
    mesh=_mesh,
    scratch_types=[
        pltpu.VMEM_SHARED((NP, D), jnp.float32),
        pltpu.VMEM((CHUNK,), jnp.int32),
        pltpu.VMEM((CHUNK,), jnp.int32),
        pltpu.VMEM((CHUNK, D), jnp.float32),
        pltpu.SemaphoreType.DMA,
    ],
)
def _sc_edgepass(y_hbm, src2_hbm, dst_hbm, sy_out, agg_sh, s2buf, dbuf, rows,
                 sem):
  c = lax.axis_index("c")
  s = lax.axis_index("s")
  wid = c * 16 + s
  z = jnp.zeros((16,), jnp.float32)

  def zrow(i, _):
    for g in range(D // 16):
      rows[i, pl.ds(g * 16, 16)] = z
    return 0

  lax.fori_loop(0, CHUNK, zrow, 0)

  def zslice(j, _):
    pltpu.sync_copy(rows, agg_sh.at[pl.ds(s * NTILE + j * CHUNK, CHUNK)])
    return 0

  lax.fori_loop(0, NTILE // CHUNK, zslice, 0)
  plsc.subcore_barrier()

  base0 = wid * EPW

  def chunk(t, _):
    base = base0 + t * CHUNK
    pltpu.sync_copy(src2_hbm.at[pl.ds(base, CHUNK)], s2buf)
    pltpu.sync_copy(dst_hbm.at[pl.ds(base, CHUNK)], dbuf)
    pltpu.async_copy(y_hbm.at[s2buf], rows, sem).wait()
    pltpu.sync_copy(rows, agg_sh.at[dbuf], add=True)
    return 0

  lax.fori_loop(0, NCHUNK, chunk, 0)
  plsc.subcore_barrier()

  def outloop(j, _):
    row0 = s * NTILE + j * CHUNK
    pltpu.sync_copy(agg_sh.at[pl.ds(row0, CHUNK)],
                    sy_out.at[pl.ds(c * NP + row0, CHUNK)])
    return 0

  lax.fori_loop(0, NTILE // CHUNK, outloop, 0)


def _dot(a, b):
  return jnp.dot(a, b, precision=jax.lax.Precision.HIGHEST,
                 preferred_element_type=jnp.float32)


def _rsqrt_body(deg_ref, s_ref):
  d = deg_ref[0] + deg_ref[1]
  s_ref[...] = lax.rsqrt(jnp.maximum(d, 1.0))


def _tc_rsqrt(deg2):
  return pl.pallas_call(
      _rsqrt_body,
      out_shape=jax.ShapeDtypeStruct((NP // 128, 128), jnp.float32),
  )(deg2)


BLK = 256


def _pre_body(x_ref, s_ref, cc_ref, r_ref, win_ref, wout_ref, wloop_ref,
              lrel_ref, y_ref, rest_ref):
  xs = x_ref[...] * s_ref[...]
  y_ref[0] = _dot(xs, win_ref[...])
  y_ref[1] = _dot(xs, wout_ref[...])
  r = r_ref[...]
  z = jnp.concatenate([_dot(r, win_ref[...]), _dot(r, wout_ref[...])], axis=0)
  csum = cc_ref[0] + cc_ref[1]
  rest_ref[...] = (_dot(x_ref[...] - lrel_ref[...], wloop_ref[...])
                   - s_ref[...] * _dot(csum, z))


def _tc_pre(x, s2d, cc, r, w_in, w_out, w_loop, lrel):
  grid = (NP // BLK,)
  return pl.pallas_call(
      _pre_body,
      grid=grid,
      in_specs=[
          pl.BlockSpec((BLK, D), lambda i: (i, 0)),
          pl.BlockSpec((BLK, D), lambda i: (i, 0)),
          pl.BlockSpec((2, BLK, 32), lambda i: (0, i, 0)),
          pl.BlockSpec((R, D), lambda i: (0, 0)),
          pl.BlockSpec((D, D), lambda i: (0, 0)),
          pl.BlockSpec((D, D), lambda i: (0, 0)),
          pl.BlockSpec((D, D), lambda i: (0, 0)),
          pl.BlockSpec((1, D), lambda i: (0, 0)),
      ],
      out_specs=[
          pl.BlockSpec((2, BLK, D), lambda i: (0, i, 0)),
          pl.BlockSpec((BLK, D), lambda i: (i, 0)),
      ],
      out_shape=[
          jax.ShapeDtypeStruct((2, NP, D), jnp.float32),
          jax.ShapeDtypeStruct((NP, D), jnp.float32),
      ],
  )(x, s2d, cc, r, w_in, w_out, w_loop, lrel)


def _post_body(sy_ref, rest_ref, s_ref, bias_ref, r_ref, wrel_ref, xn_ref,
               rn_ref):
  agg = s_ref[...] * (sy_ref[0] + sy_ref[1]) + rest_ref[...]
  xn_ref[...] = jnp.tanh(agg / 3.0 + bias_ref[...])
  rn_ref[...] = _dot(r_ref[...], wrel_ref[...])


def _tc_post(sy, rest, s2d, bias, r, w_rel):
  grid = (NP // BLK,)
  return pl.pallas_call(
      _post_body,
      grid=grid,
      in_specs=[
          pl.BlockSpec((2, BLK, D), lambda i: (0, i, 0)),
          pl.BlockSpec((BLK, D), lambda i: (i, 0)),
          pl.BlockSpec((BLK, D), lambda i: (i, 0)),
          pl.BlockSpec((1, D), lambda i: (0, 0)),
          pl.BlockSpec((R, D), lambda i: (0, 0)),
          pl.BlockSpec((D, D), lambda i: (0, 0)),
      ],
      out_specs=[
          pl.BlockSpec((BLK, D), lambda i: (i, 0)),
          pl.BlockSpec((R, D), lambda i: (0, 0)),
      ],
      out_shape=[
          jax.ShapeDtypeStruct((NP, D), jnp.float32),
          jax.ShapeDtypeStruct((R, D), jnp.float32),
      ],
  )(sy, rest, s2d, bias, r, w_rel)


def kernel(in_node_emb, in_rel_emb, W_in, W_out, W_loop, W_rel, loop_rel,
           bias, edge_index, edge_types):
  ei0 = edge_index[0]
  ei1 = edge_index[1]
  src = jnp.concatenate([ei0, ei1])
  dst = jnp.concatenate([ei1, ei0])
  et2 = jnp.concatenate([edge_types, edge_types])
  dirb = jnp.concatenate([
      jnp.zeros((E,), jnp.int32), jnp.ones((E,), jnp.int32)])

  pad = EP - EDIR
  srcp = jnp.concatenate([src, jnp.full((pad,), N, jnp.int32)])
  dstp = jnp.concatenate([dst, jnp.full((pad,), N, jnp.int32)])
  src2p = jnp.concatenate(
      [src + NP * dirb, jnp.full((pad,), N, jnp.int32)])
  flatc = jnp.concatenate(
      [dst * 32 + et2 + 16 * dirb, jnp.full((pad,), N * 32, jnp.int32)])

  x0 = jnp.pad(in_node_emb, ((0, NP - N), (0, 0)))

  deg2 = _sc_degree(dstp)
  s_small = _tc_rsqrt(deg2.reshape(2, NP // 128, 128))
  s_flat = s_small.reshape(NP)
  s2d = jnp.broadcast_to(s_flat[:, None], (NP, D))

  c_flat = _sc_ctable(srcp, flatc, s_flat)
  cc = c_flat.reshape(2, NP, 32)

  x = x0
  r = in_rel_emb
  for l in range(L):
    y, rest = _tc_pre(x, s2d, cc, r, W_in[l], W_out[l], W_loop[l],
                      loop_rel[l].reshape(1, D))
    sy = _sc_edgepass(y.reshape(2 * NP, D), src2p, dstp)
    x, r = _tc_post(sy.reshape(2, NP, D), rest, s2d,
                    bias[l].reshape(1, D), r, W_rel[l])

  return (x[:N], r)

# --- scband reference (transcript-rebuilt; emitter-appended) ---
"""Pipeline reference for scband-gcntransform-72722386256375 (READ-ONLY COPY).

The authoritative reference and input builder live on the scoring server;
editing this copy changes nothing except your own understanding.
"""

import jax, jax.numpy as jnp
import numpy as np

N = 10000
E = 320000
D = 128
R = 16
L = 2


def setup_inputs(seed: int = 0) -> dict:
    key = jax.random.key(seed)
    ks = jax.random.split(key, 10)
    edge_index = jax.random.randint(ks[0], (2, E), 0, N, dtype=jnp.int32)
    edge_types = jax.random.randint(ks[1], (E,), 0, R, dtype=jnp.int32)
    in_node_emb = jax.random.normal(ks[2], (N, D), dtype=jnp.float32)
    in_rel_emb = jax.random.normal(ks[3], (R, D), dtype=jnp.float32)
    W_in = 0.05 * jax.random.normal(ks[4], (L, D, D), dtype=jnp.float32)
    W_out = 0.05 * jax.random.normal(ks[5], (L, D, D), dtype=jnp.float32)
    W_loop = 0.05 * jax.random.normal(ks[6], (L, D, D), dtype=jnp.float32)
    W_rel = 0.05 * jax.random.normal(ks[7], (L, D, D), dtype=jnp.float32)
    loop_rel = 0.05 * jax.random.normal(ks[8], (L, D), dtype=jnp.float32)
    bias = jnp.zeros((L, D), dtype=jnp.float32)
    return {
        "in_node_emb": in_node_emb,
        "in_rel_emb": in_rel_emb,
        "W_in": W_in,
        "W_out": W_out,
        "W_loop": W_loop,
        "W_rel": W_rel,
        "loop_rel": loop_rel,
        "bias": bias,
        "edge_index": edge_index,
        "edge_types": edge_types,
    }


def reference(in_node_emb, in_rel_emb, W_in, W_out, W_loop, W_rel, loop_rel, bias, edge_index, edge_types):
    # GCNTransform.forward_subgraph: edges are duplicated in reverse direction
    src = jnp.concatenate([edge_index[0], edge_index[1]])
    dst = jnp.concatenate([edge_index[1], edge_index[0]])
    et = jnp.concatenate([edge_types, edge_types])
    Nn = in_node_emb.shape[0]
    Ee = edge_types.shape[0]

    # symmetric degree normalization over the bidirectional edge set
    deg = jnp.zeros((Nn,), dtype=in_node_emb.dtype).at[dst].add(1.0)
    deg = jnp.clip(deg, 1.0, None)
    norm = 1.0 / jnp.sqrt(deg[src] * deg[dst])

    x = in_node_emb
    r = in_rel_emb
    num_layers = W_in.shape[0]
    for l in range(num_layers):
        # CompGCN layer with 'sub' composition: compose(h_u, h_r) = h_u - h_r
        comp = x[src] - r[et]                                   # gather: [2E, D]
        msg_in = comp[:Ee] @ W_in[l]                            # original-direction edges
        msg_out = comp[Ee:] @ W_out[l]                          # reversed edges
        msg = jnp.concatenate([msg_in, msg_out], axis=0)
        msg = msg * norm[:, None]
        agg = jnp.zeros_like(x).at[dst].add(msg)                # scatter-add: [N, D]
        loop = (x - loop_rel[l][None, :]) @ W_loop[l]           # self-loop branch
        x = jnp.tanh((agg + loop) / 3.0 + bias[l][None, :])
        r = r @ W_rel[l]                                        # relation transform
    # final Dropout(0.3) is identity in eval/deterministic mode
    return (x, r)

if __name__ == "__main__":
    import jax
    _d = setup_inputs()
    print(jax.jit(kernel)(*tuple(_d.values())))

</pallas_src>

<mosaic_0001>
#map = affine_map<(d0, d1) -> (0)>
module attributes {stable_mosaic.version = 14 : i64} {
  func.func @_sc_ctable(%arg0: i32, %arg1: i32, %arg2: memref<643072xi32, #tpu.memory_space<hbm>>, %arg3: memref<643072xi32, #tpu.memory_space<hbm>>, %arg4: memref<10240xf32, #tpu.memory_space<hbm>>, %arg5: memref<655360xf32, #tpu.memory_space<hbm>>, %arg6: memref<327680xf32, #tpu.memory_space<vmem_shared>>, %arg7: memref<10240xf32, #tpu.memory_space<vmem_shared>>, %arg8: memref<128xi32, #tpu.memory_space<vmem>>, %arg9: memref<128xi32, #tpu.memory_space<vmem>>, %arg10: memref<128xf32, #tpu.memory_space<vmem>>, %arg11: memref<2048xf32, #tpu.memory_space<vmem>>, %arg12: memref<!tpu.dma_semaphore, #tpu.memory_space<semaphore_mem>>) attributes {dimension_semantics = [#tpu.dimension_semantics<core_parallel>, #tpu.dimension_semantics<subcore_parallel>], iteration_bounds = array<i64: 2, 16>, scalar_prefetch = 0 : i64, scratch_operands = 7 : i64, tpu.core_type = #tpu.core_type<sc_vector_subcore>, window_params = [{transform_indices = #map}, {transform_indices = #map}, {transform_indices = #map}, {transform_indices = #map}]} {
    %mul3A = arith.constant 16 : i32
    %mul3A_0 = arith.muli %arg0, %mul3A : i32
    %add3A = arith.addi %mul3A_0, %arg1 : i32
    %mul3A_1 = arith.constant 640 : i32
    %mul3A_2 = arith.muli %arg1, %mul3A_1 : i32
    %mul3A_3 = arith.constant 640 : i32
    %mul3A_4 = arith.muli %arg1, %mul3A_3 : i32
    "tpu.region"() ({
      %run_scoped3A = tpu.sem_alloc : memref<!tpu.dma_semaphore, #tpu.memory_space<semaphore_mem>>
      %dma_start3A = tpu.memref_slice %arg7[%mul3A_4] : memref<10240xf32, #tpu.memory_space<vmem_shared>> -> memref<640xf32, #tpu.memory_space<vmem_shared>>
      %dma_start3A_36 = tpu.memref_slice %arg4[%mul3A_2] : memref<10240xf32, #tpu.memory_space<hbm>> -> memref<640xf32, #tpu.memory_space<hbm>>
      tpu.enqueue_dma source(%dma_start3A_36 : memref<640xf32, #tpu.memory_space<hbm>>) target(%dma_start3A : memref<640xf32, #tpu.memory_space<vmem_shared>>) target_semaphore(%run_scoped3A : memref<!tpu.dma_semaphore, #tpu.memory_space<semaphore_mem>>)
      %dma_wait3A = tpu.memref_slice %arg7[%mul3A_4] : memref<10240xf32, #tpu.memory_space<vmem_shared>> -> memref<640xf32, #tpu.memory_space<vmem_shared>>
      %dma_wait3A_37 = tpu.memref_slice %arg4[%mul3A_2] : memref<10240xf32, #tpu.memory_space<hbm>> -> memref<640xf32, #tpu.memory_space<hbm>>
      tpu.wait_dma2 semaphore(%run_scoped3A : memref<!tpu.dma_semaphore, #tpu.memory_space<semaphore_mem>>) src(%dma_wait3A_37 : memref<640xf32, #tpu.memory_space<hbm>>) dst(%dma_wait3A : memref<640xf32, #tpu.memory_space<vmem_shared>>)
      tpu.yield
    }) : () -> ()
    %broadcast_in_dim3A = arith.constant 0.000000e+00 : f32
    %broadcast_in_dim3A_5 = vector.broadcast %broadcast_in_dim3A : f32 to vector<16xf32>
    %scan3A = arith.constant 0 : i32
    %scan3A_6 = arith.constant 0 : i32
    %scan3A_7 = arith.constant 128 : i32
    %scan3A_8 = arith.addi %scan3A_6, %scan3A_7 : i32
    %scan3A_9 = arith.constant 1 : i32
    %scan3A_10 = scf.for %scan3A_36 = %scan3A_6 to %scan3A_8 step %scan3A_9 iter_args(%scan3A_37 = %scan3A) -> (i32)  : i32 {
      %mul3A_38 = arith.constant 16 : i32
      %mul3A_39 = arith.muli %scan3A_36, %mul3A_38 : i32
      %swap3A = arith.index_cast %mul3A_39 : i32 to index
      %swap3A_40 = tpu.vector_load %arg11[%swap3A] {strides = array<i32>} : memref<2048xf32, #tpu.memory_space<vmem>>, vector<16xf32>,
      %swap3A_41 = vector.shape_cast %swap3A_40 : vector<16xf32> to vector<16xf32>
      %swap3A_42 = vector.shape_cast %broadcast_in_dim3A_5 : vector<16xf32> to vector<16xf32>
      tpu.vector_store %arg11[%swap3A], %swap3A_42 {strides = array<i32>} : memref<2048xf32, #tpu.memory_space<vmem>>, vector<16xf32>,
      %scan3A_43 = arith.constant 0 : i32
      scf.yield %scan3A_43 : i32
    }
    %scan3A_11 = arith.constant 128 : i32
    %scan3A_12 = arith.constant 0 : i32
    %scan3A_13 = arith.constant 0 : i32
    %scan3A_14 = arith.constant 10 : i32
    %scan3A_15 = arith.addi %scan3A_13, %scan3A_14 : i32
    %scan3A_16 = arith.constant 1 : i32
    %scan3A_17 = scf.for %scan3A_36 = %scan3A_13 to %scan3A_15 step %scan3A_16 iter_args(%scan3A_37 = %scan3A_12) -> (i32)  : i32 {
      %mul3A_38 = arith.constant 20480 : i32
      %mul3A_39 = arith.muli %arg1, %mul3A_38 : i32
      %mul3A_40 = arith.constant 2048 : i32
      %mul3A_41 = arith.muli %scan3A_36, %mul3A_40 : i32
      %add3A_42 = arith.addi %mul3A_39, %mul3A_41 : i32
      "tpu.region"() ({
        %run_scoped3A = tpu.sem_alloc : memref<!tpu.dma_semaphore, #tpu.memory_space<semaphore_mem>>
        %dma_start3A = tpu.memref_slice %arg6[%add3A_42] : memref<327680xf32, #tpu.memory_space<vmem_shared>> -> memref<2048xf32, #tpu.memory_space<vmem_shared>>
        %dma_start3A_44 = tpu.memref_slice %arg6[%add3A_42] : memref<327680xf32, #tpu.memory_space<vmem_shared>> -> memref<2048xf32, #tpu.memory_space<vmem_shared>>
        tpu.enqueue_dma source(%arg11 : memref<2048xf32, #tpu.memory_space<vmem>>) target(%dma_start3A_44 : memref<2048xf32, #tpu.memory_space<vmem_shared>>) target_semaphore(%run_scoped3A : memref<!tpu.dma_semaphore, #tpu.memory_space<semaphore_mem>>)
        %dma_wait3A = tpu.memref_slice %arg6[%add3A_42] : memref<327680xf32, #tpu.memory_space<vmem_shared>> -> memref<2048xf32, #tpu.memory_space<vmem_shared>>
        %dma_wait3A_45 = tpu.memref_slice %arg6[%add3A_42] : memref<327680xf32, #tpu.memory_space<vmem_shared>> -> memref<2048xf32, #tpu.memory_space<vmem_shared>>
        tpu.wait_dma2 semaphore(%run_scoped3A : memref<!tpu.dma_semaphore, #tpu.memory_space<semaphore_mem>>) src(%arg11 : memref<2048xf32, #tpu.memory_space<vmem>>) dst(%dma_wait3A_45 : memref<2048xf32, #tpu.memory_space<vmem_shared>>)
        tpu.yield
      }) : () -> ()
      %scan3A_43 = arith.constant 0 : i32
      scf.yield %scan3A_43 : i32
    }
    %scan3A_18 = arith.constant 10 : i32
    %barrier3A = arith.constant 0 : index
    tpu.barrier barrier_id(%barrier3A)
    %mul3A_19 = arith.constant 20096 : i32
    %mul3A_20 = arith.muli %add3A, %mul3A_19 : i32
    %scan3A_21 = arith.constant 0 : i32
    %scan3A_22 = arith.constant 0 : i32
    %scan3A_23 = arith.constant 157 : i32
    %scan3A_24 = arith.addi %scan3A_22, %scan3A_23 : i32
    %scan3A_25 = arith.constant 1 : i32
    %scan3A_26 = scf.for %scan3A_36 = %scan3A_22 to %scan3A_24 step %scan3A_25 iter_args(%scan3A_37 = %scan3A_21) -> (i32)  : i32 {
      %mul3A_38 = arith.constant 128 : i32
      %mul3A_39 = arith.muli %scan3A_36, %mul3A_38 : i32
      %add3A_40 = arith.addi %mul3A_20, %mul3A_39 : i32
      "tpu.region"() ({
        %run_scoped3A = tpu.sem_alloc : memref<!tpu.dma_semaphore, #tpu.memory_space<semaphore_mem>>
        %dma_start3A_44 = tpu.memref_slice %arg2[%add3A_40] : memref<643072xi32, #tpu.memory_space<hbm>> -> memref<128xi32, #tpu.memory_space<hbm>>
        %dma_start3A_45 = tpu.memref_slice %arg2[%add3A_40] : memref<643072xi32, #tpu.memory_space<hbm>> -> memref<128xi32, #tpu.memory_space<hbm>>
        tpu.enqueue_dma source(%dma_start3A_45 : memref<128xi32, #tpu.memory_space<hbm>>) target(%arg8 : memref<128xi32, #tpu.memory_space<vmem>>) target_semaphore(%run_scoped3A : memref<!tpu.dma_semaphore, #tpu.memory_space<semaphore_mem>>)
        %dma_wait3A_46 = tpu.memref_slice %arg2[%add3A_40] : memref<643072xi32, #tpu.memory_space<hbm>> -> memref<128xi32, #tpu.memory_space<hbm>>
        %dma_wait3A_47 = tpu.memref_slice %arg2[%add3A_40] : memref<643072xi32, #tpu.memory_space<hbm>> -> memref<128xi32, #tpu.memory_space<hbm>>
        tpu.wait_dma2 semaphore(%run_scoped3A : memref<!tpu.dma_semaphore, #tpu.memory_space<semaphore_mem>>) src(%dma_wait3A_47 : memref<128xi32, #tpu.memory_space<hbm>>) dst(%arg8 : memref<128xi32, #tpu.memory_space<vmem>>)
        tpu.yield
      }) : () -> ()
      "tpu.region"() ({
        %run_scoped3A = tpu.sem_alloc : memref<!tpu.dma_semaphore, #tpu.memory_space<semaphore_mem>>
        %dma_start3A_44 = tpu.memref_slice %arg3[%add3A_40] : memref<643072xi32, #tpu.memory_space<hbm>> -> memref<128xi32, #tpu.memory_space<hbm>>
        %dma_start3A_45 = tpu.memref_slice %arg3[%add3A_40] : memref<643072xi32, #tpu.memory_space<hbm>> -> memref<128xi32, #tpu.memory_space<hbm>>
        tpu.enqueue_dma source(%dma_start3A_45 : memref<128xi32, #tpu.memory_space<hbm>>) target(%arg9 : memref<128xi32, #tpu.memory_space<vmem>>) target_semaphore(%run_scoped3A : memref<!tpu.dma_semaphore, #tpu.memory_space<semaphore_mem>>)
        %dma_wait3A_46 = tpu.memref_slice %arg3[%add3A_40] : memref<643072xi32, #tpu.memory_space<hbm>> -> memref<128xi32, #tpu.memory_space<hbm>>
        %dma_wait3A_47 = tpu.memref_slice %arg3[%add3A_40] : memref<643072xi32, #tpu.memory_space<hbm>> -> memref<128xi32, #tpu.memory_space<hbm>>
        tpu.wait_dma2 semaphore(%run_scoped3A : memref<!tpu.dma_semaphore, #tpu.memory_space<semaphore_mem>>) src(%dma_wait3A_47 : memref<128xi32, #tpu.memory_space<hbm>>) dst(%arg9 : memref<128xi32, #tpu.memory_space<vmem>>)
        tpu.yield
      }) : () -> ()
      %dma_start3A = arith.constant 0 : i32
      %dma_start3A_41 = tpu.memref_slice %arg7[%dma_start3A] : memref<10240xf32, #tpu.memory_space<vmem_shared>> -> memref<10240xf32, #tpu.memory_space<vmem_shared>>
      tpu.enqueue_indirect_dma source(%dma_start3A_41 : memref<10240xf32, #tpu.memory_space<vmem_shared>>) target(%arg10 : memref<128xf32, #tpu.memory_space<vmem>>) offsets(%arg8 : memref<128xi32, #tpu.memory_space<vmem>>) semaphore(%arg12 : memref<!tpu.dma_semaphore, #tpu.memory_space<semaphore_mem>>)
      %dma_wait3A = arith.constant 0 : i32
      %dma_wait3A_42 = tpu.memref_slice %arg7[%dma_wait3A] : memref<10240xf32, #tpu.memory_space<vmem_shared>> -> memref<10240xf32, #tpu.memory_space<vmem_shared>>
      tpu.wait_indirect_dma semaphore(%arg12 : memref<!tpu.dma_semaphore, #tpu.memory_space<semaphore_mem>>) src(%dma_wait3A_42 : memref<10240xf32, #tpu.memory_space<vmem_shared>>) dst(%arg10 : memref<128xf32, #tpu.memory_space<vmem>>)
      "tpu.region"() ({
        %run_scoped3A = tpu.sem_alloc : memref<!tpu.dma_semaphore, #tpu.memory_space<semaphore_mem>>
        %dma_start3A_44 = arith.constant 0 : i32
        %dma_start3A_45 = tpu.memref_slice %arg6[%dma_start3A_44] : memref<327680xf32, #tpu.memory_space<vmem_shared>> -> memref<327680xf32, #tpu.memory_space<vmem_shared>>
        tpu.enqueue_indirect_dma source(%arg10 : memref<128xf32, #tpu.memory_space<vmem>>) target(%dma_start3A_45 : memref<327680xf32, #tpu.memory_space<vmem_shared>>) offsets(%arg9 : memref<128xi32, #tpu.memory_space<vmem>>) semaphore(%run_scoped3A : memref<!tpu.dma_semaphore, #tpu.memory_space<semaphore_mem>>) {add = true}
        %dma_wait3A_46 = arith.constant 0 : i32
        %dma_wait3A_47 = tpu.memref_slice %arg6[%dma_wait3A_46] : memref<327680xf32, #tpu.memory_space<vmem_shared>> -> memref<327680xf32, #tpu.memory_space<vmem_shared>>
        tpu.wait_indirect_dma semaphore(%run_scoped3A : memref<!tpu.dma_semaphore, #tpu.memory_space<semaphore_mem>>) src(%arg10 : memref<128xf32, #tpu.memory_space<vmem>>) dst(%dma_wait3A_47 : memref<327680xf32, #tpu.memory_space<vmem_shared>>)
        tpu.yield
      }) : () -> ()
      %scan3A_43 = arith.constant 0 : i32
      scf.yield %scan3A_43 : i32
    }
    %scan3A_27 = arith.constant 157 : i32
    %barrier3A_28 = arith.constant 0 : index
    tpu.barrier barrier_id(%barrier3A_28)
    %mul3A_29 = arith.constant 20480 : i32
    %mul3A_30 = arith.muli %arg1, %mul3A_29 : i32
    %mul3A_31 = arith.constant 327680 : i32
    %mul3A_32 = arith.muli %arg0, %mul3A_31 : i32
    %mul3A_33 = arith.constant 20480 : i32
    %mul3A_34 = arith.muli %arg1, %mul3A_33 : i32
    %add3A_35 = arith.addi %mul3A_32, %mul3A_34 : i32
    "tpu.region"() ({
      %run_scoped3A = tpu.sem_alloc : memref<!tpu.dma_semaphore, #tpu.memory_space<semaphore_mem>>
      %dma_start3A = tpu.memref_slice %arg5[%add3A_35] : memref<655360xf32, #tpu.memory_space<hbm>> -> memref<20480xf32, #tpu.memory_space<hbm>>
      %dma_start3A_36 = tpu.memref_slice %arg6[%mul3A_30] : memref<327680xf32, #tpu.memory_space<vmem_shared>> -> memref<20480xf32, #tpu.memory_space<vmem_shared>>
      tpu.enqueue_dma source(%dma_start3A_36 : memref<20480xf32, #tpu.memory_space<vmem_shared>>) target(%dma_start3A : memref<20480xf32, #tpu.memory_space<hbm>>) target_semaphore(%run_scoped3A : memref<!tpu.dma_semaphore, #tpu.memory_space<semaphore_mem>>)
      %dma_wait3A = tpu.memref_slice %arg5[%add3A_35] : memref<655360xf32, #tpu.memory_space<hbm>> -> memref<20480xf32, #tpu.memory_space<hbm>>
      %dma_wait3A_37 = tpu.memref_slice %arg6[%mul3A_30] : memref<327680xf32, #tpu.memory_space<vmem_shared>> -> memref<20480xf32, #tpu.memory_space<vmem_shared>>
      tpu.wait_dma2 semaphore(%run_scoped3A : memref<!tpu.dma_semaphore, #tpu.memory_space<semaphore_mem>>) src(%dma_wait3A_37 : memref<20480xf32, #tpu.memory_space<vmem_shared>>) dst(%dma_wait3A : memref<20480xf32, #tpu.memory_space<hbm>>)
      tpu.yield
    }) : () -> ()
    return
  }
}

#map = affine_map<(d0, d1) -> (0)>
module attributes {stable_mosaic.version = 14 : i64} {
  func.func @_sc_degree(%arg0: i32, %arg1: i32, %arg2: memref<643072xi32, #tpu.memory_space<hbm>>, %arg3: memref<20480xf32, #tpu.memory_space<hbm>>, %arg4: memref<10240xf32, #tpu.memory_space<vmem_shared>>, %arg5: memref<128xi32, #tpu.memory_space<vmem>>, %arg6: memref<128xf32, #tpu.memory_space<vmem>>, %arg7: memref<640xf32, #tpu.memory_space<vmem>>) attributes {dimension_semantics = [#tpu.dimension_semantics<core_parallel>, #tpu.dimension_semantics<subcore_parallel>], iteration_bounds = array<i64: 2, 16>, scalar_prefetch = 0 : i64, scratch_operands = 4 : i64, tpu.core_type = #tpu.core_type<sc_vector_subcore>, window_params = [{transform_indices = #map}, {transform_indices = #map}]} {
    %mul3A = arith.constant 16 : i32
    %mul3A_0 = arith.muli %arg0, %mul3A : i32
    %add3A = arith.addi %mul3A_0, %arg1 : i32
    %broadcast_in_dim3A = arith.constant 1.000000e+00 : f32
    %broadcast_in_dim3A_1 = vector.broadcast %broadcast_in_dim3A : f32 to vector<16xf32>
    %swap3A = arith.constant 0 : index
    %swap3A_2 = tpu.vector_load %arg6[%swap3A] {strides = array<i32>} : memref<128xf32, #tpu.memory_space<vmem>>, vector<16xf32>,
    %swap3A_3 = vector.shape_cast %swap3A_2 : vector<16xf32> to vector<16xf32>
    %swap3A_4 = vector.shape_cast %broadcast_in_dim3A_1 : vector<16xf32> to vector<16xf32>
    tpu.vector_store %arg6[%swap3A], %swap3A_4 {strides = array<i32>} : memref<128xf32, #tpu.memory_space<vmem>>, vector<16xf32>,
    %swap3A_5 = arith.constant 16 : index
    %swap3A_6 = tpu.vector_load %arg6[%swap3A_5] {strides = array<i32>} : memref<128xf32, #tpu.memory_space<vmem>>, vector<16xf32>,
    %swap3A_7 = vector.shape_cast %swap3A_6 : vector<16xf32> to vector<16xf32>
    %swap3A_8 = vector.shape_cast %broadcast_in_dim3A_1 : vector<16xf32> to vector<16xf32>
    tpu.vector_store %arg6[%swap3A_5], %swap3A_8 {strides = array<i32>} : memref<128xf32, #tpu.memory_space<vmem>>, vector<16xf32>,
    %swap3A_9 = arith.constant 32 : index
    %swap3A_10 = tpu.vector_load %arg6[%swap3A_9] {strides = array<i32>} : memref<128xf32, #tpu.memory_space<vmem>>, vector<16xf32>,
    %swap3A_11 = vector.shape_cast %swap3A_10 : vector<16xf32> to vector<16xf32>
    %swap3A_12 = vector.shape_cast %broadcast_in_dim3A_1 : vector<16xf32> to vector<16xf32>
    tpu.vector_store %arg6[%swap3A_9], %swap3A_12 {strides = array<i32>} : memref<128xf32, #tpu.memory_space<vmem>>, vector<16xf32>,
    %swap3A_13 = arith.constant 48 : index
    %swap3A_14 = tpu.vector_load %arg6[%swap3A_13] {strides = array<i32>} : memref<128xf32, #tpu.memory_space<vmem>>, vector<16xf32>,
    %swap3A_15 = vector.shape_cast %swap3A_14 : vector<16xf32> to vector<16xf32>
    %swap3A_16 = vector.shape_cast %broadcast_in_dim3A_1 : vector<16xf32> to vector<16xf32>
    tpu.vector_store %arg6[%swap3A_13], %swap3A_16 {strides = array<i32>} : memref<128xf32, #tpu.memory_space<vmem>>, vector<16xf32>,
    %swap3A_17 = arith.constant 64 : index
    %swap3A_18 = tpu.vector_load %arg6[%swap3A_17] {strides = array<i32>} : memref<128xf32, #tpu.memory_space<vmem>>, vector<16xf32>,
    %swap3A_19 = vector.shape_cast %swap3A_18 : vector<16xf32> to vector<16xf32>
    %swap3A_20 = vector.shape_cast %broadcast_in_dim3A_1 : vector<16xf32> to vector<16xf32>
    tpu.vector_store %arg6[%swap3A_17], %swap3A_20 {strides = array<i32>} : memref<128xf32, #tpu.memory_space<vmem>>, vector<16xf32>,
    %swap3A_21 = arith.constant 80 : index
    %swap3A_22 = tpu.vector_load %arg6[%swap3A_21] {strides = array<i32>} : memref<128xf32, #tpu.memory_space<vmem>>, vector<16xf32>,
    %swap3A_23 = vector.shape_cast %swap3A_22 : vector<16xf32> to vector<16xf32>
    %swap3A_24 = vector.shape_cast %broadcast_in_dim3A_1 : vector<16xf32> to vector<16xf32>
    tpu.vector_store %arg6[%swap3A_21], %swap3A_24 {strides = array<i32>} : memref<128xf32, #tpu.memory_space<vmem>>, vector<16xf32>,
    %swap3A_25 = arith.constant 96 : index
    %swap3A_26 = tpu.vector_load %arg6[%swap3A_25] {strides = array<i32>} : memref<128xf32, #tpu.memory_space<vmem>>, vector<16xf32>,
    %swap3A_27 = vector.shape_cast %swap3A_26 : vector<16xf32> to vector<16xf32>
    %swap3A_28 = vector.shape_cast %broadcast_in_dim3A_1 : vector<16xf32> to vector<16xf32>
    tpu.vector_store %arg6[%swap3A_25], %swap3A_28 {strides = array<i32>} : memref<128xf32, #tpu.memory_space<vmem>>, vector<16xf32>,
    %swap3A_29 = arith.constant 112 : index
    %swap3A_30 = tpu.vector_load %arg6[%swap3A_29] {strides = array<i32>} : memref<128xf32, #tpu.memory_space<vmem>>, vector<16xf32>,
    %swap3A_31 = vector.shape_cast %swap3A_30 : vector<16xf32> to vector<16xf32>
    %swap3A_32 = vector.shape_cast %broadcast_in_dim3A_1 : vector<16xf32> to vector<16xf32>
    tpu.vector_store %arg6[%swap3A_29], %swap3A_32 {strides = array<i32>} : memref<128xf32, #tpu.memory_space<vmem>>, vector<16xf32>,
    %broadcast_in_dim3A_33 = arith.constant 0.000000e+00 : f32
    %broadcast_in_dim3A_34 = vector.broadcast %broadcast_in_dim3A_33 : f32 to vector<16xf32>
    %scan3A = arith.constant 0 : i32
    %scan3A_35 = arith.constant 0 : i32
    %scan3A_36 = arith.constant 40 : i32
    %scan3A_37 = arith.addi %scan3A_35, %scan3A_36 : i32
    %scan3A_38 = arith.constant 1 : i32
    %scan3A_39 = scf.for %scan3A_60 = %scan3A_35 to %scan3A_37 step %scan3A_38 iter_args(%scan3A_61 = %scan3A) -> (i32)  : i32 {
      %mul3A_62 = arith.constant 16 : i32
      %mul3A_63 = arith.muli %scan3A_60, %mul3A_62 : i32
      %swap3A_64 = arith.index_cast %mul3A_63 : i32 to index
      %swap3A_65 = tpu.vector_load %arg7[%swap3A_64] {strides = array<i32>} : memref<640xf32, #tpu.memory_space<vmem>>, vector<16xf32>,
      %swap3A_66 = vector.shape_cast %swap3A_65 : vector<16xf32> to vector<16xf32>
      %swap3A_67 = vector.shape_cast %broadcast_in_dim3A_34 : vector<16xf32> to vector<16xf32>
      tpu.vector_store %arg7[%swap3A_64], %swap3A_67 {strides = array<i32>} : memref<640xf32, #tpu.memory_space<vmem>>, vector<16xf32>,
      %scan3A_68 = arith.constant 0 : i32
      scf.yield %scan3A_68 : i32
    }
    %scan3A_40 = arith.constant 40 : i32
    %mul3A_41 = arith.constant 640 : i32
    %mul3A_42 = arith.muli %arg1, %mul3A_41 : i32
    "tpu.region"() ({
      %run_scoped3A = tpu.sem_alloc : memref<!tpu.dma_semaphore, #tpu.memory_space<semaphore_mem>>
      %dma_start3A = tpu.memref_slice %arg4[%mul3A_42] : memref<10240xf32, #tpu.memory_space<vmem_shared>> -> memref<640xf32, #tpu.memory_space<vmem_shared>>
      %dma_start3A_60 = tpu.memref_slice %arg4[%mul3A_42] : memref<10240xf32, #tpu.memory_space<vmem_shared>> -> memref<640xf32, #tpu.memory_space<vmem_shared>>
      tpu.enqueue_dma source(%arg7 : memref<640xf32, #tpu.memory_space<vmem>>) target(%dma_start3A_60 : memref<640xf32, #tpu.memory_space<vmem_shared>>) target_semaphore(%run_scoped3A : memref<!tpu.dma_semaphore, #tpu.memory_space<semaphore_mem>>)
      %dma_wait3A = tpu.memref_slice %arg4[%mul3A_42] : memref<10240xf32, #tpu.memory_space<vmem_shared>> -> memref<640xf32, #tpu.memory_space<vmem_shared>>
      %dma_wait3A_61 = tpu.memref_slice %arg4[%mul3A_42] : memref<10240xf32, #tpu.memory_space<vmem_shared>> -> memref<640xf32, #tpu.memory_space<vmem_shared>>
      tpu.wait_dma2 semaphore(%run_scoped3A : memref<!tpu.dma_semaphore, #tpu.memory_space<semaphore_mem>>) src(%arg7 : memref<640xf32, #tpu.memory_space<vmem>>) dst(%dma_wait3A_61 : memref<640xf32, #tpu.memory_space<vmem_shared>>)
      tpu.yield
    }) : () -> ()
    %barrier3A = arith.constant 0 : index
    tpu.barrier barrier_id(%barrier3A)
    %mul3A_43 = arith.constant 20096 : i32
    %mul3A_44 = arith.muli %add3A, %mul3A_43 : i32
    %scan3A_45 = arith.constant 0 : i32
    %scan3A_46 = arith.constant 0 : i32
    %scan3A_47 = arith.constant 157 : i32
    %scan3A_48 = arith.addi %scan3A_46, %scan3A_47 : i32
    %scan3A_49 = arith.constant 1 : i32
    %scan3A_50 = scf.for %scan3A_60 = %scan3A_46 to %scan3A_48 step %scan3A_49 iter_args(%scan3A_61 = %scan3A_45) -> (i32)  : i32 {
      %mul3A_62 = arith.constant 128 : i32
      %mul3A_63 = arith.muli %scan3A_60, %mul3A_62 : i32
      %add3A_64 = arith.addi %mul3A_44, %mul3A_63 : i32
      "tpu.region"() ({
        %run_scoped3A = tpu.sem_alloc : memref<!tpu.dma_semaphore, #tpu.memory_space<semaphore_mem>>
        %dma_start3A = tpu.memref_slice %arg2[%add3A_64] : memref<643072xi32, #tpu.memory_space<hbm>> -> memref<128xi32, #tpu.memory_space<hbm>>
        %dma_start3A_66 = tpu.memref_slice %arg2[%add3A_64] : memref<643072xi32, #tpu.memory_space<hbm>> -> memref<128xi32, #tpu.memory_space<hbm>>
        tpu.enqueue_dma source(%dma_start3A_66 : memref<128xi32, #tpu.memory_space<hbm>>) target(%arg5 : memref<128xi32, #tpu.memory_space<vmem>>) target_semaphore(%run_scoped3A : memref<!tpu.dma_semaphore, #tpu.memory_space<semaphore_mem>>)
        %dma_wait3A = tpu.memref_slice %arg2[%add3A_64] : memref<643072xi32, #tpu.memory_space<hbm>> -> memref<128xi32, #tpu.memory_space<hbm>>
        %dma_wait3A_67 = tpu.memref_slice %arg2[%add3A_64] : memref<643072xi32, #tpu.memory_space<hbm>> -> memref<128xi32, #tpu.memory_space<hbm>>
        tpu.wait_dma2 semaphore(%run_scoped3A : memref<!tpu.dma_semaphore, #tpu.memory_space<semaphore_mem>>) src(%dma_wait3A_67 : memref<128xi32, #tpu.memory_space<hbm>>) dst(%arg5 : memref<128xi32, #tpu.memory_space<vmem>>)
        tpu.yield
      }) : () -> ()
      "tpu.region"() ({
        %run_scoped3A = tpu.sem_alloc : memref<!tpu.dma_semaphore, #tpu.memory_space<semaphore_mem>>
        %dma_start3A = arith.constant 0 : i32
        %dma_start3A_66 = tpu.memref_slice %arg4[%dma_start3A] : memref<10240xf32, #tpu.memory_space<vmem_shared>> -> memref<10240xf32, #tpu.memory_space<vmem_shared>>
        tpu.enqueue_indirect_dma source(%arg6 : memref<128xf32, #tpu.memory_space<vmem>>) target(%dma_start3A_66 : memref<10240xf32, #tpu.memory_space<vmem_shared>>) offsets(%arg5 : memref<128xi32, #tpu.memory_space<vmem>>) semaphore(%run_scoped3A : memref<!tpu.dma_semaphore, #tpu.memory_space<semaphore_mem>>) {add = true}
        %dma_wait3A = arith.constant 0 : i32
        %dma_wait3A_67 = tpu.memref_slice %arg4[%dma_wait3A] : memref<10240xf32, #tpu.memory_space<vmem_shared>> -> memref<10240xf32, #tpu.memory_space<vmem_shared>>
        tpu.wait_indirect_dma semaphore(%run_scoped3A : memref<!tpu.dma_semaphore, #tpu.memory_space<semaphore_mem>>) src(%arg6 : memref<128xf32, #tpu.memory_space<vmem>>) dst(%dma_wait3A_67 : memref<10240xf32, #tpu.memory_space<vmem_shared>>)
        tpu.yield
      }) : () -> ()
      %scan3A_65 = arith.constant 0 : i32
      scf.yield %scan3A_65 : i32
    }
    %scan3A_51 = arith.constant 157 : i32
    %barrier3A_52 = arith.constant 0 : index
    tpu.barrier barrier_id(%barrier3A_52)
    %mul3A_53 = arith.constant 640 : i32
    %mul3A_54 = arith.muli %arg1, %mul3A_53 : i32
    %mul3A_55 = arith.constant 10240 : i32
    %mul3A_56 = arith.muli %arg0, %mul3A_55 : i32
    %mul3A_57 = arith.constant 640 : i32
    %mul3A_58 = arith.muli %arg1, %mul3A_57 : i32
    %add3A_59 = arith.addi %mul3A_56, %mul3A_58 : i32
    "tpu.region"() ({
      %run_scoped3A = tpu.sem_alloc : memref<!tpu.dma_semaphore, #tpu.memory_space<semaphore_mem>>
      %dma_start3A = tpu.memref_slice %arg3[%add3A_59] : memref<20480xf32, #tpu.memory_space<hbm>> -> memref<640xf32, #tpu.memory_space<hbm>>
      %dma_start3A_60 = tpu.memref_slice %arg4[%mul3A_54] : memref<10240xf32, #tpu.memory_space<vmem_shared>> -> memref<640xf32, #tpu.memory_space<vmem_shared>>
      tpu.enqueue_dma source(%dma_start3A_60 : memref<640xf32, #tpu.memory_space<vmem_shared>>) target(%dma_start3A : memref<640xf32, #tpu.memory_space<hbm>>) target_semaphore(%run_scoped3A : memref<!tpu.dma_semaphore, #tpu.memory_space<semaphore_mem>>)
      %dma_wait3A = tpu.memref_slice %arg3[%add3A_59] : memref<20480xf32, #tpu.memory_space<hbm>> -> memref<640xf32, #tpu.memory_space<hbm>>
      %dma_wait3A_61 = tpu.memref_slice %arg4[%mul3A_54] : memref<10240xf32, #tpu.memory_space<vmem_shared>> -> memref<640xf32, #tpu.memory_space<vmem_shared>>
      tpu.wait_dma2 semaphore(%run_scoped3A : memref<!tpu.dma_semaphore, #tpu.memory_space<semaphore_mem>>) src(%dma_wait3A_61 : memref<640xf32, #tpu.memory_space<vmem_shared>>) dst(%dma_wait3A : memref<640xf32, #tpu.memory_space<hbm>>)
      tpu.yield
    }) : () -> ()
    return
  }
}

#map = affine_map<(d0, d1) -> (0, 0)>
#map1 = affine_map<(d0, d1) -> (0)>
module attributes {stable_mosaic.version = 14 : i64} {
  func.func @_sc_edgepass(%arg0: i32, %arg1: i32, %arg2: memref<20480x128xf32, #tpu.memory_space<hbm>>, %arg3: memref<643072xi32, #tpu.memory_space<hbm>>, %arg4: memref<643072xi32, #tpu.memory_space<hbm>>, %arg5: memref<20480x128xf32, #tpu.memory_space<hbm>>, %arg6: memref<10240x128xf32, #tpu.memory_space<vmem_shared>>, %arg7: memref<128xi32, #tpu.memory_space<vmem>>, %arg8: memref<128xi32, #tpu.memory_space<vmem>>, %arg9: memref<128x128xf32, #tpu.memory_space<vmem>>, %arg10: memref<!tpu.dma_semaphore, #tpu.memory_space<semaphore_mem>>) attributes {dimension_semantics = [#tpu.dimension_semantics<core_parallel>, #tpu.dimension_semantics<subcore_parallel>], iteration_bounds = array<i64: 2, 16>, scalar_prefetch = 0 : i64, scratch_operands = 5 : i64, tpu.core_type = #tpu.core_type<sc_vector_subcore>, window_params = [{transform_indices = #map}, {transform_indices = #map1}, {transform_indices = #map1}, {transform_indices = #map}]} {
    %mul3A = arith.constant 16 : i32
    %mul3A_0 = arith.muli %arg0, %mul3A : i32
    %add3A = arith.addi %mul3A_0, %arg1 : i32
    %broadcast_in_dim3A = arith.constant 0.000000e+00 : f32
    %broadcast_in_dim3A_1 = vector.broadcast %broadcast_in_dim3A : f32 to vector<16xf32>
    %scan3A = arith.constant 0 : i32
    %scan3A_2 = arith.constant 0 : i32
    %scan3A_3 = arith.constant 128 : i32
    %scan3A_4 = arith.addi %scan3A_2, %scan3A_3 : i32
    %scan3A_5 = arith.constant 1 : i32
    %scan3A_6 = scf.for %scan3A_32 = %scan3A_2 to %scan3A_4 step %scan3A_5 iter_args(%scan3A_33 = %scan3A) -> (i32)  : i32 {
      %swap3A = arith.index_cast %scan3A_32 : i32 to index
      %swap3A_34 = arith.constant 0 : index
      %swap3A_35 = tpu.vector_load %arg9[%swap3A, %swap3A_34] {strides = array<i32>} : memref<128x128xf32, #tpu.memory_space<vmem>>, vector<1x16xf32>,
      %swap3A_36 = vector.shape_cast %swap3A_35 : vector<1x16xf32> to vector<16xf32>
      %swap3A_37 = vector.shape_cast %broadcast_in_dim3A_1 : vector<16xf32> to vector<1x16xf32>
      tpu.vector_store %arg9[%swap3A, %swap3A_34], %swap3A_37 {strides = array<i32>} : memref<128x128xf32, #tpu.memory_space<vmem>>, vector<1x16xf32>,
      %swap3A_38 = arith.index_cast %scan3A_32 : i32 to index
      %swap3A_39 = arith.constant 16 : index
      %swap3A_40 = tpu.vector_load %arg9[%swap3A_38, %swap3A_39] {strides = array<i32>} : memref<128x128xf32, #tpu.memory_space<vmem>>, vector<1x16xf32>,
      %swap3A_41 = vector.shape_cast %swap3A_40 : vector<1x16xf32> to vector<16xf32>
      %swap3A_42 = vector.shape_cast %broadcast_in_dim3A_1 : vector<16xf32> to vector<1x16xf32>
      tpu.vector_store %arg9[%swap3A_38, %swap3A_39], %swap3A_42 {strides = array<i32>} : memref<128x128xf32, #tpu.memory_space<vmem>>, vector<1x16xf32>,
      %swap3A_43 = arith.index_cast %scan3A_32 : i32 to index
      %swap3A_44 = arith.constant 32 : index
      %swap3A_45 = tpu.vector_load %arg9[%swap3A_43, %swap3A_44] {strides = array<i32>} : memref<128x128xf32, #tpu.memory_space<vmem>>, vector<1x16xf32>,
      %swap3A_46 = vector.shape_cast %swap3A_45 : vector<1x16xf32> to vector<16xf32>
      %swap3A_47 = vector.shape_cast %broadcast_in_dim3A_1 : vector<16xf32> to vector<1x16xf32>
      tpu.vector_store %arg9[%swap3A_43, %swap3A_44], %swap3A_47 {strides = array<i32>} : memref<128x128xf32, #tpu.memory_space<vmem>>, vector<1x16xf32>,
      %swap3A_48 = arith.index_cast %scan3A_32 : i32 to index
      %swap3A_49 = arith.constant 48 : index
      %swap3A_50 = tpu.vector_load %arg9[%swap3A_48, %swap3A_49] {strides = array<i32>} : memref<128x128xf32, #tpu.memory_space<vmem>>, vector<1x16xf32>,
      %swap3A_51 = vector.shape_cast %swap3A_50 : vector<1x16xf32> to vector<16xf32>
      %swap3A_52 = vector.shape_cast %broadcast_in_dim3A_1 : vector<16xf32> to vector<1x16xf32>
      tpu.vector_store %arg9[%swap3A_48, %swap3A_49], %swap3A_52 {strides = array<i32>} : memref<128x128xf32, #tpu.memory_space<vmem>>, vector<1x16xf32>,
      %swap3A_53 = arith.index_cast %scan3A_32 : i32 to index
      %swap3A_54 = arith.constant 64 : index
      %swap3A_55 = tpu.vector_load %arg9[%swap3A_53, %swap3A_54] {strides = array<i32>} : memref<128x128xf32, #tpu.memory_space<vmem>>, vector<1x16xf32>,
      %swap3A_56 = vector.shape_cast %swap3A_55 : vector<1x16xf32> to vector<16xf32>
      %swap3A_57 = vector.shape_cast %broadcast_in_dim3A_1 : vector<16xf32> to vector<1x16xf32>
      tpu.vector_store %arg9[%swap3A_53, %swap3A_54], %swap3A_57 {strides = array<i32>} : memref<128x128xf32, #tpu.memory_space<vmem>>, vector<1x16xf32>,
      %swap3A_58 = arith.index_cast %scan3A_32 : i32 to index
      %swap3A_59 = arith.constant 80 : index
      %swap3A_60 = tpu.vector_load %arg9[%swap3A_58, %swap3A_59] {strides = array<i32>} : memref<128x128xf32, #tpu.memory_space<vmem>>, vector<1x16xf32>,
      %swap3A_61 = vector.shape_cast %swap3A_60 : vector<1x16xf32> to vector<16xf32>
      %swap3A_62 = vector.shape_cast %broadcast_in_dim3A_1 : vector<16xf32> to vector<1x16xf32>
      tpu.vector_store %arg9[%swap3A_58, %swap3A_59], %swap3A_62 {strides = array<i32>} : memref<128x128xf32, #tpu.memory_space<vmem>>, vector<1x16xf32>,
      %swap3A_63 = arith.index_cast %scan3A_32 : i32 to index
      %swap3A_64 = arith.constant 96 : index
      %swap3A_65 = tpu.vector_load %arg9[%swap3A_63, %swap3A_64] {strides = array<i32>} : memref<128x128xf32, #tpu.memory_space<vmem>>, vector<1x16xf32>,
      %swap3A_66 = vector.shape_cast %swap3A_65 : vector<1x16xf32> to vector<16xf32>
      %swap3A_67 = vector.shape_cast %broadcast_in_dim3A_1 : vector<16xf32> to vector<1x16xf32>
      tpu.vector_store %arg9[%swap3A_63, %swap3A_64], %swap3A_67 {strides = array<i32>} : memref<128x128xf32, #tpu.memory_space<vmem>>, vector<1x16xf32>,
      %swap3A_68 = arith.index_cast %scan3A_32 : i32 to index
      %swap3A_69 = arith.constant 112 : index
      %swap3A_70 = tpu.vector_load %arg9[%swap3A_68, %swap3A_69] {strides = array<i32>} : memref<128x128xf32, #tpu.memory_space<vmem>>, vector<1x16xf32>,
      %swap3A_71 = vector.shape_cast %swap3A_70 : vector<1x16xf32> to vector<16xf32>
      %swap3A_72 = vector.shape_cast %broadcast_in_dim3A_1 : vector<16xf32> to vector<1x16xf32>
      tpu.vector_store %arg9[%swap3A_68, %swap3A_69], %swap3A_72 {strides = array<i32>} : memref<128x128xf32, #tpu.memory_space<vmem>>, vector<1x16xf32>,
      %scan3A_73 = arith.constant 0 : i32
      scf.yield %scan3A_73 : i32
    }
    %scan3A_7 = arith.constant 128 : i32
    %scan3A_8 = arith.constant 0 : i32
    %scan3A_9 = arith.constant 0 : i32
    %scan3A_10 = arith.constant 5 : i32
    %scan3A_11 = arith.addi %scan3A_9, %scan3A_10 : i32
    %scan3A_12 = arith.constant 1 : i32
    %scan3A_13 = scf.for %scan3A_32 = %scan3A_9 to %scan3A_11 step %scan3A_12 iter_args(%scan3A_33 = %scan3A_8) -> (i32)  : i32 {
      %mul3A_34 = arith.constant 640 : i32
      %mul3A_35 = arith.muli %arg1, %mul3A_34 : i32
      %mul3A_36 = arith.constant 128 : i32
      %mul3A_37 = arith.muli %scan3A_32, %mul3A_36 : i32
      %add3A_38 = arith.addi %mul3A_35, %mul3A_37 : i32
      "tpu.region"() ({
        %run_scoped3A = tpu.sem_alloc : memref<!tpu.dma_semaphore, #tpu.memory_space<semaphore_mem>>
        %dma_start3A = arith.constant 0 : i32
        %dma_start3A_40 = tpu.memref_slice %arg6[%add3A_38, %dma_start3A] : memref<10240x128xf32, #tpu.memory_space<vmem_shared>> -> memref<128x128xf32, #tpu.memory_space<vmem_shared>>
        %dma_start3A_41 = arith.constant 0 : i32
        %dma_start3A_42 = tpu.memref_slice %arg6[%add3A_38, %dma_start3A_41] : memref<10240x128xf32, #tpu.memory_space<vmem_shared>> -> memref<128x128xf32, #tpu.memory_space<vmem_shared>>
        tpu.enqueue_dma source(%arg9 : memref<128x128xf32, #tpu.memory_space<vmem>>) target(%dma_start3A_42 : memref<128x128xf32, #tpu.memory_space<vmem_shared>>) target_semaphore(%run_scoped3A : memref<!tpu.dma_semaphore, #tpu.memory_space<semaphore_mem>>)
        %dma_wait3A = arith.constant 0 : i32
        %dma_wait3A_43 = tpu.memref_slice %arg6[%add3A_38, %dma_wait3A] : memref<10240x128xf32, #tpu.memory_space<vmem_shared>> -> memref<128x128xf32, #tpu.memory_space<vmem_shared>>
        %dma_wait3A_44 = arith.constant 0 : i32
        %dma_wait3A_45 = tpu.memref_slice %arg6[%add3A_38, %dma_wait3A_44] : memref<10240x128xf32, #tpu.memory_space<vmem_shared>> -> memref<128x128xf32, #tpu.memory_space<vmem_shared>>
        tpu.wait_dma2 semaphore(%run_scoped3A : memref<!tpu.dma_semaphore, #tpu.memory_space<semaphore_mem>>) src(%arg9 : memref<128x128xf32, #tpu.memory_space<vmem>>) dst(%dma_wait3A_45 : memref<128x128xf32, #tpu.memory_space<vmem_shared>>)
        tpu.yield
      }) : () -> ()
      %scan3A_39 = arith.constant 0 : i32
      scf.yield %scan3A_39 : i32
    }
    %scan3A_14 = arith.constant 5 : i32
    %barrier3A = arith.constant 0 : index
    tpu.barrier barrier_id(%barrier3A)
    %mul3A_15 = arith.constant 20096 : i32
    %mul3A_16 = arith.muli %add3A, %mul3A_15 : i32
    %scan3A_17 = arith.constant 0 : i32
    %scan3A_18 = arith.constant 0 : i32
    %scan3A_19 = arith.constant 157 : i32
    %scan3A_20 = arith.addi %scan3A_18, %scan3A_19 : i32
    %scan3A_21 = arith.constant 1 : i32
    %scan3A_22 = scf.for %scan3A_32 = %scan3A_18 to %scan3A_20 step %scan3A_21 iter_args(%scan3A_33 = %scan3A_17) -> (i32)  : i32 {
      %mul3A_34 = arith.constant 128 : i32
      %mul3A_35 = arith.muli %scan3A_32, %mul3A_34 : i32
      %add3A_36 = arith.addi %mul3A_16, %mul3A_35 : i32
      "tpu.region"() ({
        %run_scoped3A = tpu.sem_alloc : memref<!tpu.dma_semaphore, #tpu.memory_space<semaphore_mem>>
        %dma_start3A_42 = tpu.memref_slice %arg3[%add3A_36] : memref<643072xi32, #tpu.memory_space<hbm>> -> memref<128xi32, #tpu.memory_space<hbm>>
        %dma_start3A_43 = tpu.memref_slice %arg3[%add3A_36] : memref<643072xi32, #tpu.memory_space<hbm>> -> memref<128xi32, #tpu.memory_space<hbm>>
        tpu.enqueue_dma source(%dma_start3A_43 : memref<128xi32, #tpu.memory_space<hbm>>) target(%arg7 : memref<128xi32, #tpu.memory_space<vmem>>) target_semaphore(%run_scoped3A : memref<!tpu.dma_semaphore, #tpu.memory_space<semaphore_mem>>)
        %dma_wait3A_44 = tpu.memref_slice %arg3[%add3A_36] : memref<643072xi32, #tpu.memory_space<hbm>> -> memref<128xi32, #tpu.memory_space<hbm>>
        %dma_wait3A_45 = tpu.memref_slice %arg3[%add3A_36] : memref<643072xi32, #tpu.memory_space<hbm>> -> memref<128xi32, #tpu.memory_space<hbm>>
        tpu.wait_dma2 semaphore(%run_scoped3A : memref<!tpu.dma_semaphore, #tpu.memory_space<semaphore_mem>>) src(%dma_wait3A_45 : memref<128xi32, #tpu.memory_space<hbm>>) dst(%arg7 : memref<128xi32, #tpu.memory_space<vmem>>)
        tpu.yield
      }) : () -> ()
      "tpu.region"() ({
        %run_scoped3A = tpu.sem_alloc : memref<!tpu.dma_semaphore, #tpu.memory_space<semaphore_mem>>
        %dma_start3A_42 = tpu.memref_slice %arg4[%add3A_36] : memref<643072xi32, #tpu.memory_space<hbm>> -> memref<128xi32, #tpu.memory_space<hbm>>
        %dma_start3A_43 = tpu.memref_slice %arg4[%add3A_36] : memref<643072xi32, #tpu.memory_space<hbm>> -> memref<128xi32, #tpu.memory_space<hbm>>
        tpu.enqueue_dma source(%dma_start3A_43 : memref<128xi32, #tpu.memory_space<hbm>>) target(%arg8 : memref<128xi32, #tpu.memory_space<vmem>>) target_semaphore(%run_scoped3A : memref<!tpu.dma_semaphore, #tpu.memory_space<semaphore_mem>>)
        %dma_wait3A_44 = tpu.memref_slice %arg4[%add3A_36] : memref<643072xi32, #tpu.memory_space<hbm>> -> memref<128xi32, #tpu.memory_space<hbm>>
        %dma_wait3A_45 = tpu.memref_slice %arg4[%add3A_36] : memref<643072xi32, #tpu.memory_space<hbm>> -> memref<128xi32, #tpu.memory_space<hbm>>
        tpu.wait_dma2 semaphore(%run_scoped3A : memref<!tpu.dma_semaphore, #tpu.memory_space<semaphore_mem>>) src(%dma_wait3A_45 : memref<128xi32, #tpu.memory_space<hbm>>) dst(%arg8 : memref<128xi32, #tpu.memory_space<vmem>>)
        tpu.yield
      }) : () -> ()
      %dma_start3A = arith.constant 0 : i32
      %dma_start3A_37 = arith.constant 0 : i32
      %dma_start3A_38 = tpu.memref_slice %arg2[%dma_start3A, %dma_start3A_37] : memref<20480x128xf32, #tpu.memory_space<hbm>> -> memref<20480x128xf32, #tpu.memory_space<hbm>>
      tpu.enqueue_indirect_dma source(%dma_start3A_38 : memref<20480x128xf32, #tpu.memory_space<hbm>>) target(%arg9 : memref<128x128xf32, #tpu.memory_space<vmem>>) offsets(%arg7 : memref<128xi32, #tpu.memory_space<vmem>>) semaphore(%arg10 : memref<!tpu.dma_semaphore, #tpu.memory_space<semaphore_mem>>)
      %dma_wait3A = arith.constant 0 : i32
      %dma_wait3A_39 = arith.constant 0 : i32
      %dma_wait3A_40 = tpu.memref_slice %arg2[%dma_wait3A, %dma_wait3A_39] : memref<20480x128xf32, #tpu.memory_space<hbm>> -> memref<20480x128xf32, #tpu.memory_space<hbm>>
      tpu.wait_indirect_dma semaphore(%arg10 : memref<!tpu.dma_semaphore, #tpu.memory_space<semaphore_mem>>) src(%dma_wait3A_40 : memref<20480x128xf32, #tpu.memory_space<hbm>>) dst(%arg9 : memref<128x128xf32, #tpu.memory_space<vmem>>)
      "tpu.region"() ({
        %run_scoped3A = tpu.sem_alloc : memref<!tpu.dma_semaphore, #tpu.memory_space<semaphore_mem>>
        %dma_start3A_42 = arith.constant 0 : i32
        %dma_start3A_43 = arith.constant 0 : i32
        %dma_start3A_44 = tpu.memref_slice %arg6[%dma_start3A_42, %dma_start3A_43] : memref<10240x128xf32, #tpu.memory_space<vmem_shared>> -> memref<10240x128xf32, #tpu.memory_space<vmem_shared>>
        tpu.enqueue_indirect_dma source(%arg9 : memref<128x128xf32, #tpu.memory_space<vmem>>) target(%dma_start3A_44 : memref<10240x128xf32, #tpu.memory_space<vmem_shared>>) offsets(%arg8 : memref<128xi32, #tpu.memory_space<vmem>>) semaphore(%run_scoped3A : memref<!tpu.dma_semaphore, #tpu.memory_space<semaphore_mem>>) {add = true}
        %dma_wait3A_45 = arith.constant 0 : i32
        %dma_wait3A_46 = arith.constant 0 : i32
        %dma_wait3A_47 = tpu.memref_slice %arg6[%dma_wait3A_45, %dma_wait3A_46] : memref<10240x128xf32, #tpu.memory_space<vmem_shared>> -> memref<10240x128xf32, #tpu.memory_space<vmem_shared>>
        tpu.wait_indirect_dma semaphore(%run_scoped3A : memref<!tpu.dma_semaphore, #tpu.memory_space<semaphore_mem>>) src(%arg9 : memref<128x128xf32, #tpu.memory_space<vmem>>) dst(%dma_wait3A_47 : memref<10240x128xf32, #tpu.memory_space<vmem_shared>>)
        tpu.yield
      }) : () -> ()
      %scan3A_41 = arith.constant 0 : i32
      scf.yield %scan3A_41 : i32
    }
    %scan3A_23 = arith.constant 157 : i32
    %barrier3A_24 = arith.constant 0 : index
    tpu.barrier barrier_id(%barrier3A_24)
    %scan3A_25 = arith.constant 0 : i32
    %scan3A_26 = arith.constant 0 : i32
    %scan3A_27 = arith.constant 5 : i32
    %scan3A_28 = arith.addi %scan3A_26, %scan3A_27 : i32
    %scan3A_29 = arith.constant 1 : i32
    %scan3A_30 = scf.for %scan3A_32 = %scan3A_26 to %scan3A_28 step %scan3A_29 iter_args(%scan3A_33 = %scan3A_25) -> (i32)  : i32 {
      %mul3A_34 = arith.constant 640 : i32
      %mul3A_35 = arith.muli %arg1, %mul3A_34 : i32
      %mul3A_36 = arith.constant 128 : i32
      %mul3A_37 = arith.muli %scan3A_32, %mul3A_36 : i32
      %add3A_38 = arith.addi %mul3A_35, %mul3A_37 : i32
      %mul3A_39 = arith.constant 10240 : i32
      %mul3A_40 = arith.muli %arg0, %mul3A_39 : i32
      %add3A_41 = arith.addi %mul3A_40, %add3A_38 : i32
      "tpu.region"() ({
        %run_scoped3A = tpu.sem_alloc : memref<!tpu.dma_semaphore, #tpu.memory_space<semaphore_mem>>
        %dma_start3A = arith.constant 0 : i32
        %dma_start3A_43 = tpu.memref_slice %arg5[%add3A_41, %dma_start3A] : memref<20480x128xf32, #tpu.memory_space<hbm>> -> memref<128x128xf32, #tpu.memory_space<hbm>>
        %dma_start3A_44 = arith.constant 0 : i32
        %dma_start3A_45 = tpu.memref_slice %arg6[%add3A_38, %dma_start3A_44] : memref<10240x128xf32, #tpu.memory_space<vmem_shared>> -> memref<128x128xf32, #tpu.memory_space<vmem_shared>>
        tpu.enqueue_dma source(%dma_start3A_45 : memref<128x128xf32, #tpu.memory_space<vmem_shared>>) target(%dma_start3A_43 : memref<128x128xf32, #tpu.memory_space<hbm>>) target_semaphore(%run_scoped3A : memref<!tpu.dma_semaphore, #tpu.memory_space<semaphore_mem>>)
        %dma_wait3A = arith.constant 0 : i32
        %dma_wait3A_46 = tpu.memref_slice %arg5[%add3A_41, %dma_wait3A] : memref<20480x128xf32, #tpu.memory_space<hbm>> -> memref<128x128xf32, #tpu.memory_space<hbm>>
        %dma_wait3A_47 = arith.constant 0 : i32
        %dma_wait3A_48 = tpu.memref_slice %arg6[%add3A_38, %dma_wait3A_47] : memref<10240x128xf32, #tpu.memory_space<vmem_shared>> -> memref<128x128xf32, #tpu.memory_space<vmem_shared>>
        tpu.wait_dma2 semaphore(%run_scoped3A : memref<!tpu.dma_semaphore, #tpu.memory_space<semaphore_mem>>) src(%dma_wait3A_48 : memref<128x128xf32, #tpu.memory_space<vmem_shared>>) dst(%dma_wait3A_46 : memref<128x128xf32, #tpu.memory_space<hbm>>)
        tpu.yield
      }) : () -> ()
      %scan3A_42 = arith.constant 0 : i32
      scf.yield %scan3A_42 : i32
    }
    %scan3A_31 = arith.constant 5 : i32
    return
  }
}

#map = affine_map<(d0, d1) -> (0, 0)>
#map1 = affine_map<(d0, d1) -> (0)>
module attributes {stable_mosaic.version = 14 : i64} {
  func.func @_sc_edgepass(%arg0: i32, %arg1: i32, %arg2: memref<20480x128xf32, #tpu.memory_space<hbm>>, %arg3: memref<643072xi32, #tpu.memory_space<hbm>>, %arg4: memref<643072xi32, #tpu.memory_space<hbm>>, %arg5: memref<20480x128xf32, #tpu.memory_space<hbm>>, %arg6: memref<10240x128xf32, #tpu.memory_space<vmem_shared>>, %arg7: memref<128xi32, #tpu.memory_space<vmem>>, %arg8: memref<128xi32, #tpu.memory_space<vmem>>, %arg9: memref<128x128xf32, #tpu.memory_space<vmem>>, %arg10: memref<!tpu.dma_semaphore, #tpu.memory_space<semaphore_mem>>) attributes {dimension_semantics = [#tpu.dimension_semantics<core_parallel>, #tpu.dimension_semantics<subcore_parallel>], iteration_bounds = array<i64: 2, 16>, scalar_prefetch = 0 : i64, scratch_operands = 5 : i64, tpu.core_type = #tpu.core_type<sc_vector_subcore>, window_params = [{transform_indices = #map}, {transform_indices = #map1}, {transform_indices = #map1}, {transform_indices = #map}]} {
    %mul3A = arith.constant 16 : i32
    %mul3A_0 = arith.muli %arg0, %mul3A : i32
    %add3A = arith.addi %mul3A_0, %arg1 : i32
    %broadcast_in_dim3A = arith.constant 0.000000e+00 : f32
    %broadcast_in_dim3A_1 = vector.broadcast %broadcast_in_dim3A : f32 to vector<16xf32>
    %scan3A = arith.constant 0 : i32
    %scan3A_2 = arith.constant 0 : i32
    %scan3A_3 = arith.constant 128 : i32
    %scan3A_4 = arith.addi %scan3A_2, %scan3A_3 : i32
    %scan3A_5 = arith.constant 1 : i32
    %scan3A_6 = scf.for %scan3A_32 = %scan3A_2 to %scan3A_4 step %scan3A_5 iter_args(%scan3A_33 = %scan3A) -> (i32)  : i32 {
      %swap3A = arith.index_cast %scan3A_32 : i32 to index
      %swap3A_34 = arith.constant 0 : index
      %swap3A_35 = tpu.vector_load %arg9[%swap3A, %swap3A_34] {strides = array<i32>} : memref<128x128xf32, #tpu.memory_space<vmem>>, vector<1x16xf32>,
      %swap3A_36 = vector.shape_cast %swap3A_35 : vector<1x16xf32> to vector<16xf32>
      %swap3A_37 = vector.shape_cast %broadcast_in_dim3A_1 : vector<16xf32> to vector<1x16xf32>
      tpu.vector_store %arg9[%swap3A, %swap3A_34], %swap3A_37 {strides = array<i32>} : memref<128x128xf32, #tpu.memory_space<vmem>>, vector<1x16xf32>,
      %swap3A_38 = arith.index_cast %scan3A_32 : i32 to index
      %swap3A_39 = arith.constant 16 : index
      %swap3A_40 = tpu.vector_load %arg9[%swap3A_38, %swap3A_39] {strides = array<i32>} : memref<128x128xf32, #tpu.memory_space<vmem>>, vector<1x16xf32>,
      %swap3A_41 = vector.shape_cast %swap3A_40 : vector<1x16xf32> to vector<16xf32>
      %swap3A_42 = vector.shape_cast %broadcast_in_dim3A_1 : vector<16xf32> to vector<1x16xf32>
      tpu.vector_store %arg9[%swap3A_38, %swap3A_39], %swap3A_42 {strides = array<i32>} : memref<128x128xf32, #tpu.memory_space<vmem>>, vector<1x16xf32>,
      %swap3A_43 = arith.index_cast %scan3A_32 : i32 to index
      %swap3A_44 = arith.constant 32 : index
      %swap3A_45 = tpu.vector_load %arg9[%swap3A_43, %swap3A_44] {strides = array<i32>} : memref<128x128xf32, #tpu.memory_space<vmem>>, vector<1x16xf32>,
      %swap3A_46 = vector.shape_cast %swap3A_45 : vector<1x16xf32> to vector<16xf32>
      %swap3A_47 = vector.shape_cast %broadcast_in_dim3A_1 : vector<16xf32> to vector<1x16xf32>
      tpu.vector_store %arg9[%swap3A_43, %swap3A_44], %swap3A_47 {strides = array<i32>} : memref<128x128xf32, #tpu.memory_space<vmem>>, vector<1x16xf32>,
      %swap3A_48 = arith.index_cast %scan3A_32 : i32 to index
      %swap3A_49 = arith.constant 48 : index
      %swap3A_50 = tpu.vector_load %arg9[%swap3A_48, %swap3A_49] {strides = array<i32>} : memref<128x128xf32, #tpu.memory_space<vmem>>, vector<1x16xf32>,
      %swap3A_51 = vector.shape_cast %swap3A_50 : vector<1x16xf32> to vector<16xf32>
      %swap3A_52 = vector.shape_cast %broadcast_in_dim3A_1 : vector<16xf32> to vector<1x16xf32>
      tpu.vector_store %arg9[%swap3A_48, %swap3A_49], %swap3A_52 {strides = array<i32>} : memref<128x128xf32, #tpu.memory_space<vmem>>, vector<1x16xf32>,
      %swap3A_53 = arith.index_cast %scan3A_32 : i32 to index
      %swap3A_54 = arith.constant 64 : index
      %swap3A_55 = tpu.vector_load %arg9[%swap3A_53, %swap3A_54] {strides = array<i32>} : memref<128x128xf32, #tpu.memory_space<vmem>>, vector<1x16xf32>,
      %swap3A_56 = vector.shape_cast %swap3A_55 : vector<1x16xf32> to vector<16xf32>
      %swap3A_57 = vector.shape_cast %broadcast_in_dim3A_1 : vector<16xf32> to vector<1x16xf32>
      tpu.vector_store %arg9[%swap3A_53, %swap3A_54], %swap3A_57 {strides = array<i32>} : memref<128x128xf32, #tpu.memory_space<vmem>>, vector<1x16xf32>,
      %swap3A_58 = arith.index_cast %scan3A_32 : i32 to index
      %swap3A_59 = arith.constant 80 : index
      %swap3A_60 = tpu.vector_load %arg9[%swap3A_58, %swap3A_59] {strides = array<i32>} : memref<128x128xf32, #tpu.memory_space<vmem>>, vector<1x16xf32>,
      %swap3A_61 = vector.shape_cast %swap3A_60 : vector<1x16xf32> to vector<16xf32>
      %swap3A_62 = vector.shape_cast %broadcast_in_dim3A_1 : vector<16xf32> to vector<1x16xf32>
      tpu.vector_store %arg9[%swap3A_58, %swap3A_59], %swap3A_62 {strides = array<i32>} : memref<128x128xf32, #tpu.memory_space<vmem>>, vector<1x16xf32>,
      %swap3A_63 = arith.index_cast %scan3A_32 : i32 to index
      %swap3A_64 = arith.constant 96 : index
      %swap3A_65 = tpu.vector_load %arg9[%swap3A_63, %swap3A_64] {strides = array<i32>} : memref<128x128xf32, #tpu.memory_space<vmem>>, vector<1x16xf32>,
      %swap3A_66 = vector.shape_cast %swap3A_65 : vector<1x16xf32> to vector<16xf32>
      %swap3A_67 = vector.shape_cast %broadcast_in_dim3A_1 : vector<16xf32> to vector<1x16xf32>
      tpu.vector_store %arg9[%swap3A_63, %swap3A_64], %swap3A_67 {strides = array<i32>} : memref<128x128xf32, #tpu.memory_space<vmem>>, vector<1x16xf32>,
      %swap3A_68 = arith.index_cast %scan3A_32 : i32 to index
      %swap3A_69 = arith.constant 112 : index
      %swap3A_70 = tpu.vector_load %arg9[%swap3A_68, %swap3A_69] {strides = array<i32>} : memref<128x128xf32, #tpu.memory_space<vmem>>, vector<1x16xf32>,
      %swap3A_71 = vector.shape_cast %swap3A_70 : vector<1x16xf32> to vector<16xf32>
      %swap3A_72 = vector.shape_cast %broadcast_in_dim3A_1 : vector<16xf32> to vector<1x16xf32>
      tpu.vector_store %arg9[%swap3A_68, %swap3A_69], %swap3A_72 {strides = array<i32>} : memref<128x128xf32, #tpu.memory_space<vmem>>, vector<1x16xf32>,
      %scan3A_73 = arith.constant 0 : i32
      scf.yield %scan3A_73 : i32
    }
    %scan3A_7 = arith.constant 128 : i32
    %scan3A_8 = arith.constant 0 : i32
    %scan3A_9 = arith.constant 0 : i32
    %scan3A_10 = arith.constant 5 : i32
    %scan3A_11 = arith.addi %scan3A_9, %scan3A_10 : i32
    %scan3A_12 = arith.constant 1 : i32
    %scan3A_13 = scf.for %scan3A_32 = %scan3A_9 to %scan3A_11 step %scan3A_12 iter_args(%scan3A_33 = %scan3A_8) -> (i32)  : i32 {
      %mul3A_34 = arith.constant 640 : i32
      %mul3A_35 = arith.muli %arg1, %mul3A_34 : i32
      %mul3A_36 = arith.constant 128 : i32
      %mul3A_37 = arith.muli %scan3A_32, %mul3A_36 : i32
      %add3A_38 = arith.addi %mul3A_35, %mul3A_37 : i32
      "tpu.region"() ({
        %run_scoped3A = tpu.sem_alloc : memref<!tpu.dma_semaphore, #tpu.memory_space<semaphore_mem>>
        %dma_start3A = arith.constant 0 : i32
        %dma_start3A_40 = tpu.memref_slice %arg6[%add3A_38, %dma_start3A] : memref<10240x128xf32, #tpu.memory_space<vmem_shared>> -> memref<128x128xf32, #tpu.memory_space<vmem_shared>>
        %dma_start3A_41 = arith.constant 0 : i32
        %dma_start3A_42 = tpu.memref_slice %arg6[%add3A_38, %dma_start3A_41] : memref<10240x128xf32, #tpu.memory_space<vmem_shared>> -> memref<128x128xf32, #tpu.memory_space<vmem_shared>>
        tpu.enqueue_dma source(%arg9 : memref<128x128xf32, #tpu.memory_space<vmem>>) target(%dma_start3A_42 : memref<128x128xf32, #tpu.memory_space<vmem_shared>>) target_semaphore(%run_scoped3A : memref<!tpu.dma_semaphore, #tpu.memory_space<semaphore_mem>>)
        %dma_wait3A = arith.constant 0 : i32
        %dma_wait3A_43 = tpu.memref_slice %arg6[%add3A_38, %dma_wait3A] : memref<10240x128xf32, #tpu.memory_space<vmem_shared>> -> memref<128x128xf32, #tpu.memory_space<vmem_shared>>
        %dma_wait3A_44 = arith.constant 0 : i32
        %dma_wait3A_45 = tpu.memref_slice %arg6[%add3A_38, %dma_wait3A_44] : memref<10240x128xf32, #tpu.memory_space<vmem_shared>> -> memref<128x128xf32, #tpu.memory_space<vmem_shared>>
        tpu.wait_dma2 semaphore(%run_scoped3A : memref<!tpu.dma_semaphore, #tpu.memory_space<semaphore_mem>>) src(%arg9 : memref<128x128xf32, #tpu.memory_space<vmem>>) dst(%dma_wait3A_45 : memref<128x128xf32, #tpu.memory_space<vmem_shared>>)
        tpu.yield
      }) : () -> ()
      %scan3A_39 = arith.constant 0 : i32
      scf.yield %scan3A_39 : i32
    }
    %scan3A_14 = arith.constant 5 : i32
    %barrier3A = arith.constant 0 : index
    tpu.barrier barrier_id(%barrier3A)
    %mul3A_15 = arith.constant 20096 : i32
    %mul3A_16 = arith.muli %add3A, %mul3A_15 : i32
    %scan3A_17 = arith.constant 0 : i32
    %scan3A_18 = arith.constant 0 : i32
    %scan3A_19 = arith.constant 157 : i32
    %scan3A_20 = arith.addi %scan3A_18, %scan3A_19 : i32
    %scan3A_21 = arith.constant 1 : i32
    %scan3A_22 = scf.for %scan3A_32 = %scan3A_18 to %scan3A_20 step %scan3A_21 iter_args(%scan3A_33 = %scan3A_17) -> (i32)  : i32 {
      %mul3A_34 = arith.constant 128 : i32
      %mul3A_35 = arith.muli %scan3A_32, %mul3A_34 : i32
      %add3A_36 = arith.addi %mul3A_16, %mul3A_35 : i32
      "tpu.region"() ({
        %run_scoped3A = tpu.sem_alloc : memref<!tpu.dma_semaphore, #tpu.memory_space<semaphore_mem>>
        %dma_start3A_42 = tpu.memref_slice %arg3[%add3A_36] : memref<643072xi32, #tpu.memory_space<hbm>> -> memref<128xi32, #tpu.memory_space<hbm>>
        %dma_start3A_43 = tpu.memref_slice %arg3[%add3A_36] : memref<643072xi32, #tpu.memory_space<hbm>> -> memref<128xi32, #tpu.memory_space<hbm>>
        tpu.enqueue_dma source(%dma_start3A_43 : memref<128xi32, #tpu.memory_space<hbm>>) target(%arg7 : memref<128xi32, #tpu.memory_space<vmem>>) target_semaphore(%run_scoped3A : memref<!tpu.dma_semaphore, #tpu.memory_space<semaphore_mem>>)
        %dma_wait3A_44 = tpu.memref_slice %arg3[%add3A_36] : memref<643072xi32, #tpu.memory_space<hbm>> -> memref<128xi32, #tpu.memory_space<hbm>>
        %dma_wait3A_45 = tpu.memref_slice %arg3[%add3A_36] : memref<643072xi32, #tpu.memory_space<hbm>> -> memref<128xi32, #tpu.memory_space<hbm>>
        tpu.wait_dma2 semaphore(%run_scoped3A : memref<!tpu.dma_semaphore, #tpu.memory_space<semaphore_mem>>) src(%dma_wait3A_45 : memref<128xi32, #tpu.memory_space<hbm>>) dst(%arg7 : memref<128xi32, #tpu.memory_space<vmem>>)
        tpu.yield
      }) : () -> ()
      "tpu.region"() ({
        %run_scoped3A = tpu.sem_alloc : memref<!tpu.dma_semaphore, #tpu.memory_space<semaphore_mem>>
        %dma_start3A_42 = tpu.memref_slice %arg4[%add3A_36] : memref<643072xi32, #tpu.memory_space<hbm>> -> memref<128xi32, #tpu.memory_space<hbm>>
        %dma_start3A_43 = tpu.memref_slice %arg4[%add3A_36] : memref<643072xi32, #tpu.memory_space<hbm>> -> memref<128xi32, #tpu.memory_space<hbm>>
        tpu.enqueue_dma source(%dma_start3A_43 : memref<128xi32, #tpu.memory_space<hbm>>) target(%arg8 : memref<128xi32, #tpu.memory_space<vmem>>) target_semaphore(%run_scoped3A : memref<!tpu.dma_semaphore, #tpu.memory_space<semaphore_mem>>)
        %dma_wait3A_44 = tpu.memref_slice %arg4[%add3A_36] : memref<643072xi32, #tpu.memory_space<hbm>> -> memref<128xi32, #tpu.memory_space<hbm>>
        %dma_wait3A_45 = tpu.memref_slice %arg4[%add3A_36] : memref<643072xi32, #tpu.memory_space<hbm>> -> memref<128xi32, #tpu.memory_space<hbm>>
        tpu.wait_dma2 semaphore(%run_scoped3A : memref<!tpu.dma_semaphore, #tpu.memory_space<semaphore_mem>>) src(%dma_wait3A_45 : memref<128xi32, #tpu.memory_space<hbm>>) dst(%arg8 : memref<128xi32, #tpu.memory_space<vmem>>)
        tpu.yield
      }) : () -> ()
      %dma_start3A = arith.constant 0 : i32
      %dma_start3A_37 = arith.constant 0 : i32
      %dma_start3A_38 = tpu.memref_slice %arg2[%dma_start3A, %dma_start3A_37] : memref<20480x128xf32, #tpu.memory_space<hbm>> -> memref<20480x128xf32, #tpu.memory_space<hbm>>
      tpu.enqueue_indirect_dma source(%dma_start3A_38 : memref<20480x128xf32, #tpu.memory_space<hbm>>) target(%arg9 : memref<128x128xf32, #tpu.memory_space<vmem>>) offsets(%arg7 : memref<128xi32, #tpu.memory_space<vmem>>) semaphore(%arg10 : memref<!tpu.dma_semaphore, #tpu.memory_space<semaphore_mem>>)
      %dma_wait3A = arith.constant 0 : i32
      %dma_wait3A_39 = arith.constant 0 : i32
      %dma_wait3A_40 = tpu.memref_slice %arg2[%dma_wait3A, %dma_wait3A_39] : memref<20480x128xf32, #tpu.memory_space<hbm>> -> memref<20480x128xf32, #tpu.memory_space<hbm>>
      tpu.wait_indirect_dma semaphore(%arg10 : memref<!tpu.dma_semaphore, #tpu.memory_space<semaphore_mem>>) src(%dma_wait3A_40 : memref<20480x128xf32, #tpu.memory_space<hbm>>) dst(%arg9 : memref<128x128xf32, #tpu.memory_space<vmem>>)
      "tpu.region"() ({
        %run_scoped3A = tpu.sem_alloc : memref<!tpu.dma_semaphore, #tpu.memory_space<semaphore_mem>>
        %dma_start3A_42 = arith.constant 0 : i32
        %dma_start3A_43 = arith.constant 0 : i32
        %dma_start3A_44 = tpu.memref_slice %arg6[%dma_start3A_42, %dma_start3A_43] : memref<10240x128xf32, #tpu.memory_space<vmem_shared>> -> memref<10240x128xf32, #tpu.memory_space<vmem_shared>>
        tpu.enqueue_indirect_dma source(%arg9 : memref<128x128xf32, #tpu.memory_space<vmem>>) target(%dma_start3A_44 : memref<10240x128xf32, #tpu.memory_space<vmem_shared>>) offsets(%arg8 : memref<128xi32, #tpu.memory_space<vmem>>) semaphore(%run_scoped3A : memref<!tpu.dma_semaphore, #tpu.memory_space<semaphore_mem>>) {add = true}
        %dma_wait3A_45 = arith.constant 0 : i32
        %dma_wait3A_46 = arith.constant 0 : i32
        %dma_wait3A_47 = tpu.memref_slice %arg6[%dma_wait3A_45, %dma_wait3A_46] : memref<10240x128xf32, #tpu.memory_space<vmem_shared>> -> memref<10240x128xf32, #tpu.memory_space<vmem_shared>>
        tpu.wait_indirect_dma semaphore(%run_scoped3A : memref<!tpu.dma_semaphore, #tpu.memory_space<semaphore_mem>>) src(%arg9 : memref<128x128xf32, #tpu.memory_space<vmem>>) dst(%dma_wait3A_47 : memref<10240x128xf32, #tpu.memory_space<vmem_shared>>)
        tpu.yield
      }) : () -> ()
      %scan3A_41 = arith.constant 0 : i32
      scf.yield %scan3A_41 : i32
    }
    %scan3A_23 = arith.constant 157 : i32
    %barrier3A_24 = arith.constant 0 : index
    tpu.barrier barrier_id(%barrier3A_24)
    %scan3A_25 = arith.constant 0 : i32
    %scan3A_26 = arith.constant 0 : i32
    %scan3A_27 = arith.constant 5 : i32
    %scan3A_28 = arith.addi %scan3A_26, %scan3A_27 : i32
    %scan3A_29 = arith.constant 1 : i32
    %scan3A_30 = scf.for %scan3A_32 = %scan3A_26 to %scan3A_28 step %scan3A_29 iter_args(%scan3A_33 = %scan3A_25) -> (i32)  : i32 {
      %mul3A_34 = arith.constant 640 : i32
      %mul3A_35 = arith.muli %arg1, %mul3A_34 : i32
      %mul3A_36 = arith.constant 128 : i32
      %mul3A_37 = arith.muli %scan3A_32, %mul3A_36 : i32
      %add3A_38 = arith.addi %mul3A_35, %mul3A_37 : i32
      %mul3A_39 = arith.constant 10240 : i32
      %mul3A_40 = arith.muli %arg0, %mul3A_39 : i32
      %add3A_41 = arith.addi %mul3A_40, %add3A_38 : i32
      "tpu.region"() ({
        %run_scoped3A = tpu.sem_alloc : memref<!tpu.dma_semaphore, #tpu.memory_space<semaphore_mem>>
        %dma_start3A = arith.constant 0 : i32
        %dma_start3A_43 = tpu.memref_slice %arg5[%add3A_41, %dma_start3A] : memref<20480x128xf32, #tpu.memory_space<hbm>> -> memref<128x128xf32, #tpu.memory_space<hbm>>
        %dma_start3A_44 = arith.constant 0 : i32
        %dma_start3A_45 = tpu.memref_slice %arg6[%add3A_38, %dma_start3A_44] : memref<10240x128xf32, #tpu.memory_space<vmem_shared>> -> memref<128x128xf32, #tpu.memory_space<vmem_shared>>
        tpu.enqueue_dma source(%dma_start3A_45 : memref<128x128xf32, #tpu.memory_space<vmem_shared>>) target(%dma_start3A_43 : memref<128x128xf32, #tpu.memory_space<hbm>>) target_semaphore(%run_scoped3A : memref<!tpu.dma_semaphore, #tpu.memory_space<semaphore_mem>>)
        %dma_wait3A = arith.constant 0 : i32
        %dma_wait3A_46 = tpu.memref_slice %arg5[%add3A_41, %dma_wait3A] : memref<20480x128xf32, #tpu.memory_space<hbm>> -> memref<128x128xf32, #tpu.memory_space<hbm>>
        %dma_wait3A_47 = arith.constant 0 : i32
        %dma_wait3A_48 = tpu.memref_slice %arg6[%add3A_38, %dma_wait3A_47] : memref<10240x128xf32, #tpu.memory_space<vmem_shared>> -> memref<128x128xf32, #tpu.memory_space<vmem_shared>>
        tpu.wait_dma2 semaphore(%run_scoped3A : memref<!tpu.dma_semaphore, #tpu.memory_space<semaphore_mem>>) src(%dma_wait3A_48 : memref<128x128xf32, #tpu.memory_space<vmem_shared>>) dst(%dma_wait3A_46 : memref<128x128xf32, #tpu.memory_space<hbm>>)
        tpu.yield
      }) : () -> ()
      %scan3A_42 = arith.constant 0 : i32
      scf.yield %scan3A_42 : i32
    }
    %scan3A_31 = arith.constant 5 : i32
    return
  }
}

module attributes {stable_mosaic.version = 14 : i64} {
  func.func @_rsqrt_body(%arg0: memref<2x80x128xf32, #tpu.memory_space<vmem>>, %arg1: memref<80x128xf32, #tpu.memory_space<vmem>>) attributes {dimension_semantics = [], scalar_prefetch = 0 : i64, scratch_operands = 0 : i64, tpu.core_type = #tpu.core_type<tc>} {
    %get3A = arith.constant 0 : index
    %get3A_0 = arith.constant 0 : index
    %get3A_1 = arith.constant 0 : index
    %get3A_2 = vector.load %arg0[%get3A, %get3A_0, %get3A_1] : memref<2x80x128xf32, #tpu.memory_space<vmem>>, vector<1x80x128xf32>
    %get3A_3 = vector.shape_cast %get3A_2 : vector<1x80x128xf32> to vector<80x128xf32>
    %get3A_4 = arith.constant 1 : index
    %get3A_5 = arith.constant 0 : index
    %get3A_6 = arith.constant 0 : index
    %get3A_7 = vector.load %arg0[%get3A_4, %get3A_5, %get3A_6] : memref<2x80x128xf32, #tpu.memory_space<vmem>>, vector<1x80x128xf32>
    %get3A_8 = vector.shape_cast %get3A_7 : vector<1x80x128xf32> to vector<80x128xf32>
    %add3A = arith.addf %get3A_3, %get3A_8 : vector<80x128xf32>
    %max3A = arith.constant 1.000000e+00 : f32
    %max3A_9 = vector.broadcast %max3A : f32 to vector<80x128xf32>
    %max3A_10 = arith.maximumf %add3A, %max3A_9 : vector<80x128xf32>
    %rsqrt3A = math.rsqrt %max3A_10 : vector<80x128xf32>
    %swap3A = arith.constant 0 : index
    %swap3A_11 = arith.constant 0 : index
    %swap3A_12 = vector.load %arg1[%swap3A, %swap3A_11] : memref<80x128xf32, #tpu.memory_space<vmem>>, vector<80x128xf32>
    tpu.vector_store %arg1[%swap3A, %swap3A_11], %rsqrt3A {strides = array<i32>} : memref<80x128xf32, #tpu.memory_space<vmem>>, vector<80x128xf32>,
    return
  }
}

module attributes {stable_mosaic.version = 14 : i64} {
  func.func @_pre_body(%arg0: i32, %arg1: memref<256x128xf32, #tpu.memory_space<vmem>>, %arg2: memref<256x128xf32, #tpu.memory_space<vmem>>, %arg3: memref<2x256x32xf32, #tpu.memory_space<vmem>>, %arg4: memref<16x128xf32, #tpu.memory_space<vmem>>, %arg5: memref<128x128xf32, #tpu.memory_space<vmem>>, %arg6: memref<128x128xf32, #tpu.memory_space<vmem>>, %arg7: memref<128x128xf32, #tpu.memory_space<vmem>>, %arg8: memref<1x128xf32, #tpu.memory_space<vmem>>, %arg9: memref<2x256x128xf32, #tpu.memory_space<vmem>>, %arg10: memref<256x128xf32, #tpu.memory_space<vmem>>) attributes {dimension_semantics = [#tpu.dimension_semantics<arbitrary>], iteration_bounds = array<i64: 40>, scalar_prefetch = 0 : i64, scratch_operands = 0 : i64, tpu.core_type = #tpu.core_type<tc>, window_params = [{transform_indices = @transform_0, window_bounds = array<i64: 256, 128>}, {transform_indices = @transform_1, window_bounds = array<i64: 256, 128>}, {transform_indices = @transform_2, window_bounds = array<i64: 2, 256, 32>}, {pipeline_mode = #tpu.pipeline_mode<synchronous>, transform_indices = @transform_3, window_bounds = array<i64: 16, 128>}, {pipeline_mode = #tpu.pipeline_mode<synchronous>, transform_indices = @transform_4, window_bounds = array<i64: 128, 128>}, {pipeline_mode = #tpu.pipeline_mode<synchronous>, transform_indices = @transform_5, window_bounds = array<i64: 128, 128>}, {pipeline_mode = #tpu.pipeline_mode<synchronous>, transform_indices = @transform_6, window_bounds = array<i64: 128, 128>}, {pipeline_mode = #tpu.pipeline_mode<synchronous>, transform_indices = @transform_7, window_bounds = array<i64: 1, 128>}, {transform_indices = @transform_8, window_bounds = array<i64: 2, 256, 128>}, {transform_indices = @transform_9, window_bounds = array<i64: 256, 128>}]} {
    %get3A = arith.constant 0 : index
    %get3A_0 = arith.constant 0 : index
    %get3A_1 = vector.load %arg1[%get3A, %get3A_0] : memref<256x128xf32, #tpu.memory_space<vmem>>, vector<256x128xf32>
    %get3A_2 = arith.constant 0 : index
    %get3A_3 = arith.constant 0 : index
    %get3A_4 = vector.load %arg2[%get3A_2, %get3A_3] : memref<256x128xf32, #tpu.memory_space<vmem>>, vector<256x128xf32>
    %mul3A = arith.mulf %get3A_1, %get3A_4 : vector<256x128xf32>
    %get3A_5 = arith.constant 0 : index
    %get3A_6 = arith.constant 0 : index
    %get3A_7 = vector.load %arg5[%get3A_5, %get3A_6] : memref<128x128xf32, #tpu.memory_space<vmem>>, vector<128x128xf32>
    %dot_general3A = arith.constant dense<0.000000e+00> : vector<256x128xf32>
    %dot_general3A_8 = tpu.matmul %mul3A, %get3A_7, %dot_general3A {dimension_numbers = #tpu.dot_dimension_numbers<[1], [0], [0], [1], [0, 0, 1, 1], [], []>, precision = #tpu.contract_precision<fp32>, transpose_lhs_hint = false} : vector<256x128xf32>, vector<128x128xf32>, vector<256x128xf32> -> vector<256x128xf32>
    %swap3A = arith.constant 0 : index
    %swap3A_9 = arith.constant 0 : index
    %swap3A_10 = arith.constant 0 : index
    %swap3A_11 = vector.load %arg9[%swap3A, %swap3A_9, %swap3A_10] : memref<2x256x128xf32, #tpu.memory_space<vmem>>, vector<1x256x128xf32>
    %swap3A_12 = vector.shape_cast %swap3A_11 : vector<1x256x128xf32> to vector<256x128xf32>
    %swap3A_13 = vector.shape_cast %dot_general3A_8 : vector<256x128xf32> to vector<1x256x128xf32>
    tpu.vector_store %arg9[%swap3A, %swap3A_9, %swap3A_10], %swap3A_13 {strides = array<i32>} : memref<2x256x128xf32, #tpu.memory_space<vmem>>, vector<1x256x128xf32>,
    %get3A_14 = arith.constant 0 : index
    %get3A_15 = arith.constant 0 : index
    %get3A_16 = vector.load %arg6[%get3A_14, %get3A_15] : memref<128x128xf32, #tpu.memory_space<vmem>>, vector<128x128xf32>
    %dot_general3A_17 = arith.constant dense<0.000000e+00> : vector<256x128xf32>
    %dot_general3A_18 = tpu.matmul %mul3A, %get3A_16, %dot_general3A_17 {dimension_numbers = #tpu.dot_dimension_numbers<[1], [0], [0], [1], [0, 0, 1, 1], [], []>, precision = #tpu.contract_precision<fp32>, transpose_lhs_hint = false} : vector<256x128xf32>, vector<128x128xf32>, vector<256x128xf32> -> vector<256x128xf32>
    %swap3A_19 = arith.constant 1 : index
    %swap3A_20 = arith.constant 0 : index
    %swap3A_21 = arith.constant 0 : index
    %swap3A_22 = vector.load %arg9[%swap3A_19, %swap3A_20, %swap3A_21] : memref<2x256x128xf32, #tpu.memory_space<vmem>>, vector<1x256x128xf32>
    %swap3A_23 = vector.shape_cast %swap3A_22 : vector<1x256x128xf32> to vector<256x128xf32>
    %swap3A_24 = vector.shape_cast %dot_general3A_18 : vector<256x128xf32> to vector<1x256x128xf32>
    tpu.vector_store %arg9[%swap3A_19, %swap3A_20, %swap3A_21], %swap3A_24 {strides = array<i32>} : memref<2x256x128xf32, #tpu.memory_space<vmem>>, vector<1x256x128xf32>,
    %get3A_25 = arith.constant 0 : index
    %get3A_26 = arith.constant 0 : index
    %get3A_27 = vector.load %arg4[%get3A_25, %get3A_26] : memref<16x128xf32, #tpu.memory_space<vmem>>, vector<16x128xf32>
    %get3A_28 = arith.constant 0 : index
    %get3A_29 = arith.constant 0 : index
    %get3A_30 = vector.load %arg5[%get3A_28, %get3A_29] : memref<128x128xf32, #tpu.memory_space<vmem>>, vector<128x128xf32>
    %dot_general3A_31 = arith.constant dense<0.000000e+00> : vector<16x128xf32>
    %dot_general3A_32 = tpu.matmul %get3A_27, %get3A_30, %dot_general3A_31 {dimension_numbers = #tpu.dot_dimension_numbers<[1], [0], [0], [1], [0, 0, 1, 1], [], []>, precision = #tpu.contract_precision<fp32>, transpose_lhs_hint = false} : vector<16x128xf32>, vector<128x128xf32>, vector<16x128xf32> -> vector<16x128xf32>
    %get3A_33 = arith.constant 0 : index
    %get3A_34 = arith.constant 0 : index
    %get3A_35 = vector.load %arg6[%get3A_33, %get3A_34] : memref<128x128xf32, #tpu.memory_space<vmem>>, vector<128x128xf32>
    %dot_general3A_36 = arith.constant dense<0.000000e+00> : vector<16x128xf32>
    %dot_general3A_37 = tpu.matmul %get3A_27, %get3A_35, %dot_general3A_36 {dimension_numbers = #tpu.dot_dimension_numbers<[1], [0], [0], [1], [0, 0, 1, 1], [], []>, precision = #tpu.contract_precision<fp32>, transpose_lhs_hint = false} : vector<16x128xf32>, vector<128x128xf32>, vector<16x128xf32> -> vector<16x128xf32>
    %concatenate3A = tpu.concatenate %dot_general3A_32, %dot_general3A_37 in 0 : vector<16x128xf32>, vector<16x128xf32> -> vector<32x128xf32>
    %get3A_38 = arith.constant 0 : index
    %get3A_39 = arith.constant 0 : index
    %get3A_40 = arith.constant 0 : index
    %get3A_41 = vector.load %arg3[%get3A_38, %get3A_39, %get3A_40] : memref<2x256x32xf32, #tpu.memory_space<vmem>>, vector<1x256x32xf32>
    %get3A_42 = vector.shape_cast %get3A_41 : vector<1x256x32xf32> to vector<256x32xf32>
    %get3A_43 = arith.constant 1 : index
    %get3A_44 = arith.constant 0 : index
    %get3A_45 = arith.constant 0 : index
    %get3A_46 = vector.load %arg3[%get3A_43, %get3A_44, %get3A_45] : memref<2x256x32xf32, #tpu.memory_space<vmem>>, vector<1x256x32xf32>
    %get3A_47 = vector.shape_cast %get3A_46 : vector<1x256x32xf32> to vector<256x32xf32>
    %add3A = arith.addf %get3A_42, %get3A_47 : vector<256x32xf32>
    %get3A_48 = arith.constant 0 : index
    %get3A_49 = arith.constant 0 : index
    %get3A_50 = vector.load %arg1[%get3A_48, %get3A_49] : memref<256x128xf32, #tpu.memory_space<vmem>>, vector<256x128xf32>
    %get3A_51 = arith.constant 0 : index
    %get3A_52 = arith.constant 0 : index
    %get3A_53 = vector.load %arg8[%get3A_51, %get3A_52] : memref<1x128xf32, #tpu.memory_space<vmem>>, vector<1x128xf32>
    %sub3A = vector.broadcast %get3A_53 : vector<1x128xf32> to vector<256x128xf32>
    %sub3A_54 = arith.subf %get3A_50, %sub3A : vector<256x128xf32>
    %get3A_55 = arith.constant 0 : index
    %get3A_56 = arith.constant 0 : index
    %get3A_57 = vector.load %arg7[%get3A_55, %get3A_56] : memref<128x128xf32, #tpu.memory_space<vmem>>, vector<128x128xf32>
    %dot_general3A_58 = arith.constant dense<0.000000e+00> : vector<256x128xf32>
    %dot_general3A_59 = tpu.matmul %sub3A_54, %get3A_57, %dot_general3A_58 {dimension_numbers = #tpu.dot_dimension_numbers<[1], [0], [0], [1], [0, 0, 1, 1], [], []>, precision = #tpu.contract_precision<fp32>, transpose_lhs_hint = false} : vector<256x128xf32>, vector<128x128xf32>, vector<256x128xf32> -> vector<256x128xf32>
    %get3A_60 = arith.constant 0 : index
    %get3A_61 = arith.constant 0 : index
    %get3A_62 = vector.load %arg2[%get3A_60, %get3A_61] : memref<256x128xf32, #tpu.memory_space<vmem>>, vector<256x128xf32>
    %dot_general3A_63 = arith.constant dense<0.000000e+00> : vector<256x128xf32>
    %dot_general3A_64 = tpu.matmul %add3A, %concatenate3A, %dot_general3A_63 {dimension_numbers = #tpu.dot_dimension_numbers<[1], [0], [0], [1], [0, 0, 1, 1], [], []>, precision = #tpu.contract_precision<fp32>, transpose_lhs_hint = false} : vector<256x32xf32>, vector<32x128xf32>, vector<256x128xf32> -> vector<256x128xf32>
    %mul3A_65 = arith.mulf %get3A_62, %dot_general3A_64 : vector<256x128xf32>
    %sub3A_66 = arith.subf %dot_general3A_59, %mul3A_65 : vector<256x128xf32>
    %swap3A_67 = arith.constant 0 : index
    %swap3A_68 = arith.constant 0 : index
    %swap3A_69 = vector.load %arg10[%swap3A_67, %swap3A_68] : memref<256x128xf32, #tpu.memory_space<vmem>>, vector<256x128xf32>
    tpu.vector_store %arg10[%swap3A_67, %swap3A_68], %sub3A_66 {strides = array<i32>} : memref<256x128xf32, #tpu.memory_space<vmem>>, vector<256x128xf32>,
    return
  }
  func.func @transform_0(%arg0: i32) -> (i32, i32) {
    %c0_i32 = arith.constant 0 : i32
    %c0_i32_0 = arith.constant 0 : i32
    return %arg0, %c0_i32 : i32, i32
  }
  func.func @transform_1(%arg0: i32) -> (i32, i32) {
    %c0_i32 = arith.constant 0 : i32
    %c0_i32_0 = arith.constant 0 : i32
    return %arg0, %c0_i32 : i32, i32
  }
  func.func @transform_2(%arg0: i32) -> (i32, i32, i32) {
    %c0_i32 = arith.constant 0 : i32
    %c0_i32_0 = arith.constant 0 : i32
    %c0_i32_1 = arith.constant 0 : i32
    return %c0_i32, %arg0, %c0_i32_0 : i32, i32, i32
  }
  func.func @transform_3(%arg0: i32) -> (i32, i32) {
    %c0_i32 = arith.constant 0 : i32
    %c0_i32_0 = arith.constant 0 : i32
    %c0_i32_1 = arith.constant 0 : i32
    return %c0_i32, %c0_i32_0 : i32, i32
  }
  func.func @transform_4(%arg0: i32) -> (i32, i32) {
    %c0_i32 = arith.constant 0 : i32
    %c0_i32_0 = arith.constant 0 : i32
    %c0_i32_1 = arith.constant 0 : i32
    return %c0_i32, %c0_i32_0 : i32, i32
  }
  func.func @transform_5(%arg0: i32) -> (i32, i32) {
    %c0_i32 = arith.constant 0 : i32
    %c0_i32_0 = arith.constant 0 : i32
    %c0_i32_1 = arith.constant 0 : i32
    return %c0_i32, %c0_i32_0 : i32, i32
  }
  func.func @transform_6(%arg0: i32) -> (i32, i32) {
    %c0_i32 = arith.constant 0 : i32
    %c0_i32_0 = arith.constant 0 : i32
    %c0_i32_1 = arith.constant 0 : i32
    return %c0_i32, %c0_i32_0 : i32, i32
  }
  func.func @transform_7(%arg0: i32) -> (i32, i32) {
    %c0_i32 = arith.constant 0 : i32
    %c0_i32_0 = arith.constant 0 : i32
    %c0_i32_1 = arith.constant 0 : i32
    return %c0_i32, %c0_i32_0 : i32, i32
  }
  func.func @transform_8(%arg0: i32) -> (i32, i32, i32) {
    %c0_i32 = arith.constant 0 : i32
    %c0_i32_0 = arith.constant 0 : i32
    %c0_i32_1 = arith.constant 0 : i32
    return %c0_i32, %arg0, %c0_i32_0 : i32, i32, i32
  }
  func.func @transform_9(%arg0: i32) -> (i32, i32) {
    %c0_i32 = arith.constant 0 : i32
    %c0_i32_0 = arith.constant 0 : i32
    return %arg0, %c0_i32 : i32, i32
  }
}

module attributes {stable_mosaic.version = 14 : i64} {
  func.func @_post_body(%arg0: i32, %arg1: memref<2x256x128xf32, #tpu.memory_space<vmem>>, %arg2: memref<256x128xf32, #tpu.memory_space<vmem>>, %arg3: memref<256x128xf32, #tpu.memory_space<vmem>>, %arg4: memref<1x128xf32, #tpu.memory_space<vmem>>, %arg5: memref<16x128xf32, #tpu.memory_space<vmem>>, %arg6: memref<128x128xf32, #tpu.memory_space<vmem>>, %arg7: memref<256x128xf32, #tpu.memory_space<vmem>>, %arg8: memref<16x128xf32, #tpu.memory_space<vmem>>) attributes {dimension_semantics = [#tpu.dimension_semantics<arbitrary>], iteration_bounds = array<i64: 40>, scalar_prefetch = 0 : i64, scratch_operands = 0 : i64, tpu.core_type = #tpu.core_type<tc>, window_params = [{transform_indices = @transform_0, window_bounds = array<i64: 2, 256, 128>}, {transform_indices = @transform_1, window_bounds = array<i64: 256, 128>}, {transform_indices = @transform_2, window_bounds = array<i64: 256, 128>}, {pipeline_mode = #tpu.pipeline_mode<synchronous>, transform_indices = @transform_3, window_bounds = array<i64: 1, 128>}, {pipeline_mode = #tpu.pipeline_mode<synchronous>, transform_indices = @transform_4, window_bounds = array<i64: 16, 128>}, {pipeline_mode = #tpu.pipeline_mode<synchronous>, transform_indices = @transform_5, window_bounds = array<i64: 128, 128>}, {transform_indices = @transform_6, window_bounds = array<i64: 256, 128>}, {pipeline_mode = #tpu.pipeline_mode<synchronous>, transform_indices = @transform_7, window_bounds = array<i64: 16, 128>}]} {
    %get3A = arith.constant 0 : index
    %get3A_0 = arith.constant 0 : index
    %get3A_1 = vector.load %arg3[%get3A, %get3A_0] : memref<256x128xf32, #tpu.memory_space<vmem>>, vector<256x128xf32>
    %get3A_2 = arith.constant 0 : index
    %get3A_3 = arith.constant 0 : index
    %get3A_4 = arith.constant 0 : index
    %get3A_5 = vector.load %arg1[%get3A_2, %get3A_3, %get3A_4] : memref<2x256x128xf32, #tpu.memory_space<vmem>>, vector<1x256x128xf32>
    %get3A_6 = vector.shape_cast %get3A_5 : vector<1x256x128xf32> to vector<256x128xf32>
    %get3A_7 = arith.constant 1 : index
    %get3A_8 = arith.constant 0 : index
    %get3A_9 = arith.constant 0 : index
    %get3A_10 = vector.load %arg1[%get3A_7, %get3A_8, %get3A_9] : memref<2x256x128xf32, #tpu.memory_space<vmem>>, vector<1x256x128xf32>
    %get3A_11 = vector.shape_cast %get3A_10 : vector<1x256x128xf32> to vector<256x128xf32>
    %add3A = arith.addf %get3A_6, %get3A_11 : vector<256x128xf32>
    %mul3A = arith.mulf %get3A_1, %add3A : vector<256x128xf32>
    %get3A_12 = arith.constant 0 : index
    %get3A_13 = arith.constant 0 : index
    %get3A_14 = vector.load %arg2[%get3A_12, %get3A_13] : memref<256x128xf32, #tpu.memory_space<vmem>>, vector<256x128xf32>
    %add3A_15 = arith.addf %mul3A, %get3A_14 : vector<256x128xf32>
    %div3A = arith.constant 3.000000e+00 : f32
    %div3A_16 = vector.broadcast %div3A : f32 to vector<256x128xf32>
    %div3A_17 = arith.divf %add3A_15, %div3A_16 : vector<256x128xf32>
    %get3A_18 = arith.constant 0 : index
    %get3A_19 = arith.constant 0 : index
    %get3A_20 = vector.load %arg4[%get3A_18, %get3A_19] : memref<1x128xf32, #tpu.memory_space<vmem>>, vector<1x128xf32>
    %add3A_21 = vector.broadcast %get3A_20 : vector<1x128xf32> to vector<256x128xf32>
    %add3A_22 = arith.addf %div3A_17, %add3A_21 : vector<256x128xf32>
    %tanh3A = math.tanh %add3A_22 : vector<256x128xf32>
    %swap3A = arith.constant 0 : index
    %swap3A_23 = arith.constant 0 : index
    %swap3A_24 = vector.load %arg7[%swap3A, %swap3A_23] : memref<256x128xf32, #tpu.memory_space<vmem>>, vector<256x128xf32>
    tpu.vector_store %arg7[%swap3A, %swap3A_23], %tanh3A {strides = array<i32>} : memref<256x128xf32, #tpu.memory_space<vmem>>, vector<256x128xf32>,
    %get3A_25 = arith.constant 0 : index
    %get3A_26 = arith.constant 0 : index
    %get3A_27 = vector.load %arg5[%get3A_25, %get3A_26] : memref<16x128xf32, #tpu.memory_space<vmem>>, vector<16x128xf32>
    %get3A_28 = arith.constant 0 : index
    %get3A_29 = arith.constant 0 : index
    %get3A_30 = vector.load %arg6[%get3A_28, %get3A_29] : memref<128x128xf32, #tpu.memory_space<vmem>>, vector<128x128xf32>
    %dot_general3A = arith.constant dense<0.000000e+00> : vector<16x128xf32>
    %dot_general3A_31 = tpu.matmul %get3A_27, %get3A_30, %dot_general3A {dimension_numbers = #tpu.dot_dimension_numbers<[1], [0], [0], [1], [0, 0, 1, 1], [], []>, precision = #tpu.contract_precision<fp32>, transpose_lhs_hint = false} : vector<16x128xf32>, vector<128x128xf32>, vector<16x128xf32> -> vector<16x128xf32>
    %swap3A_32 = arith.constant 0 : index
    %swap3A_33 = arith.constant 0 : index
    %swap3A_34 = vector.load %arg8[%swap3A_32, %swap3A_33] : memref<16x128xf32, #tpu.memory_space<vmem>>, vector<16x128xf32>
    tpu.vector_store %arg8[%swap3A_32, %swap3A_33], %dot_general3A_31 {strides = array<i32>} : memref<16x128xf32, #tpu.memory_space<vmem>>, vector<16x128xf32>,
    return
  }
  func.func @transform_0(%arg0: i32) -> (i32, i32, i32) {
    %c0_i32 = arith.constant 0 : i32
    %c0_i32_0 = arith.constant 0 : i32
    %c0_i32_1 = arith.constant 0 : i32
    return %c0_i32, %arg0, %c0_i32_0 : i32, i32, i32
  }
  func.func @transform_1(%arg0: i32) -> (i32, i32) {
    %c0_i32 = arith.constant 0 : i32
    %c0_i32_0 = arith.constant 0 : i32
    return %arg0, %c0_i32 : i32, i32
  }
  func.func @transform_2(%arg0: i32) -> (i32, i32) {
    %c0_i32 = arith.constant 0 : i32
    %c0_i32_0 = arith.constant 0 : i32
    return %arg0, %c0_i32 : i32, i32
  }
  func.func @transform_3(%arg0: i32) -> (i32, i32) {
    %c0_i32 = arith.constant 0 : i32
    %c0_i32_0 = arith.constant 0 : i32
    %c0_i32_1 = arith.constant 0 : i32
    return %c0_i32, %c0_i32_0 : i32, i32
  }
  func.func @transform_4(%arg0: i32) -> (i32, i32) {
    %c0_i32 = arith.constant 0 : i32
    %c0_i32_0 = arith.constant 0 : i32
    %c0_i32_1 = arith.constant 0 : i32
    return %c0_i32, %c0_i32_0 : i32, i32
  }
  func.func @transform_5(%arg0: i32) -> (i32, i32) {
    %c0_i32 = arith.constant 0 : i32
    %c0_i32_0 = arith.constant 0 : i32
    %c0_i32_1 = arith.constant 0 : i32
    return %c0_i32, %c0_i32_0 : i32, i32
  }
  func.func @transform_6(%arg0: i32) -> (i32, i32) {
    %c0_i32 = arith.constant 0 : i32
    %c0_i32_0 = arith.constant 0 : i32
    return %arg0, %c0_i32 : i32, i32
  }
  func.func @transform_7(%arg0: i32) -> (i32, i32) {
    %c0_i32 = arith.constant 0 : i32
    %c0_i32_0 = arith.constant 0 : i32
    %c0_i32_1 = arith.constant 0 : i32
    return %c0_i32, %c0_i32_0 : i32, i32
  }
}

module attributes {stable_mosaic.version = 14 : i64} {
  func.func @_post_body(%arg0: i32, %arg1: memref<2x256x128xf32, #tpu.memory_space<vmem>>, %arg2: memref<256x128xf32, #tpu.memory_space<vmem>>, %arg3: memref<256x128xf32, #tpu.memory_space<vmem>>, %arg4: memref<1x128xf32, #tpu.memory_space<vmem>>, %arg5: memref<16x128xf32, #tpu.memory_space<vmem>>, %arg6: memref<128x128xf32, #tpu.memory_space<vmem>>, %arg7: memref<256x128xf32, #tpu.memory_space<vmem>>, %arg8: memref<16x128xf32, #tpu.memory_space<vmem>>) attributes {dimension_semantics = [#tpu.dimension_semantics<arbitrary>], iteration_bounds = array<i64: 40>, scalar_prefetch = 0 : i64, scratch_operands = 0 : i64, tpu.core_type = #tpu.core_type<tc>, window_params = [{transform_indices = @transform_0, window_bounds = array<i64: 2, 256, 128>}, {transform_indices = @transform_1, window_bounds = array<i64: 256, 128>}, {transform_indices = @transform_2, window_bounds = array<i64: 256, 128>}, {pipeline_mode = #tpu.pipeline_mode<synchronous>, transform_indices = @transform_3, window_bounds = array<i64: 1, 128>}, {pipeline_mode = #tpu.pipeline_mode<synchronous>, transform_indices = @transform_4, window_bounds = array<i64: 16, 128>}, {pipeline_mode = #tpu.pipeline_mode<synchronous>, transform_indices = @transform_5, window_bounds = array<i64: 128, 128>}, {transform_indices = @transform_6, window_bounds = array<i64: 256, 128>}, {pipeline_mode = #tpu.pipeline_mode<synchronous>, transform_indices = @transform_7, window_bounds = array<i64: 16, 128>}]} {
    %get3A = arith.constant 0 : index
    %get3A_0 = arith.constant 0 : index
    %get3A_1 = vector.load %arg3[%get3A, %get3A_0] : memref<256x128xf32, #tpu.memory_space<vmem>>, vector<256x128xf32>
    %get3A_2 = arith.constant 0 : index
    %get3A_3 = arith.constant 0 : index
    %get3A_4 = arith.constant 0 : index
    %get3A_5 = vector.load %arg1[%get3A_2, %get3A_3, %get3A_4] : memref<2x256x128xf32, #tpu.memory_space<vmem>>, vector<1x256x128xf32>
    %get3A_6 = vector.shape_cast %get3A_5 : vector<1x256x128xf32> to vector<256x128xf32>
    %get3A_7 = arith.constant 1 : index
    %get3A_8 = arith.constant 0 : index
    %get3A_9 = arith.constant 0 : index
    %get3A_10 = vector.load %arg1[%get3A_7, %get3A_8, %get3A_9] : memref<2x256x128xf32, #tpu.memory_space<vmem>>, vector<1x256x128xf32>
    %get3A_11 = vector.shape_cast %get3A_10 : vector<1x256x128xf32> to vector<256x128xf32>
    %add3A = arith.addf %get3A_6, %get3A_11 : vector<256x128xf32>
    %mul3A = arith.mulf %get3A_1, %add3A : vector<256x128xf32>
    %get3A_12 = arith.constant 0 : index
    %get3A_13 = arith.constant 0 : index
    %get3A_14 = vector.load %arg2[%get3A_12, %get3A_13] : memref<256x128xf32, #tpu.memory_space<vmem>>, vector<256x128xf32>
    %add3A_15 = arith.addf %mul3A, %get3A_14 : vector<256x128xf32>
    %div3A = arith.constant 3.000000e+00 : f32
    %div3A_16 = vector.broadcast %div3A : f32 to vector<256x128xf32>
    %div3A_17 = arith.divf %add3A_15, %div3A_16 : vector<256x128xf32>
    %get3A_18 = arith.constant 0 : index
    %get3A_19 = arith.constant 0 : index
    %get3A_20 = vector.load %arg4[%get3A_18, %get3A_19] : memref<1x128xf32, #tpu.memory_space<vmem>>, vector<1x128xf32>
    %add3A_21 = vector.broadcast %get3A_20 : vector<1x128xf32> to vector<256x128xf32>
    %add3A_22 = arith.addf %div3A_17, %add3A_21 : vector<256x128xf32>
    %tanh3A = math.tanh %add3A_22 : vector<256x128xf32>
    %swap3A = arith.constant 0 : index
    %swap3A_23 = arith.constant 0 : index
    %swap3A_24 = vector.load %arg7[%swap3A, %swap3A_23] : memref<256x128xf32, #tpu.memory_space<vmem>>, vector<256x128xf32>
    tpu.vector_store %arg7[%swap3A, %swap3A_23], %tanh3A {strides = array<i32>} : memref<256x128xf32, #tpu.memory_space<vmem>>, vector<256x128xf32>,
    %get3A_25 = arith.constant 0 : index
    %get3A_26 = arith.constant 0 : index
    %get3A_27 = vector.load %arg5[%get3A_25, %get3A_26] : memref<16x128xf32, #tpu.memory_space<vmem>>, vector<16x128xf32>
    %get3A_28 = arith.constant 0 : index
    %get3A_29 = arith.constant 0 : index
    %get3A_30 = vector.load %arg6[%get3A_28, %get3A_29] : memref<128x128xf32, #tpu.memory_space<vmem>>, vector<128x128xf32>
    %dot_general3A = arith.constant dense<0.000000e+00> : vector<16x128xf32>
    %dot_general3A_31 = tpu.matmul %get3A_27, %get3A_30, %dot_general3A {dimension_numbers = #tpu.dot_dimension_numbers<[1], [0], [0], [1], [0, 0, 1, 1], [], []>, precision = #tpu.contract_precision<fp32>, transpose_lhs_hint = false} : vector<16x128xf32>, vector<128x128xf32>, vector<16x128xf32> -> vector<16x128xf32>
    %swap3A_32 = arith.constant 0 : index
    %swap3A_33 = arith.constant 0 : index
    %swap3A_34 = vector.load %arg8[%swap3A_32, %swap3A_33] : memref<16x128xf32, #tpu.memory_space<vmem>>, vector<16x128xf32>
    tpu.vector_store %arg8[%swap3A_32, %swap3A_33], %dot_general3A_31 {strides = array<i32>} : memref<16x128xf32, #tpu.memory_space<vmem>>, vector<16x128xf32>,
    return
  }
  func.func @transform_0(%arg0: i32) -> (i32, i32, i32) {
    %c0_i32 = arith.constant 0 : i32
    %c0_i32_0 = arith.constant 0 : i32
    %c0_i32_1 = arith.constant 0 : i32
    return %c0_i32, %arg0, %c0_i32_0 : i32, i32, i32
  }
  func.func @transform_1(%arg0: i32) -> (i32, i32) {
    %c0_i32 = arith.constant 0 : i32
    %c0_i32_0 = arith.constant 0 : i32
    return %arg0, %c0_i32 : i32, i32
  }
  func.func @transform_2(%arg0: i32) -> (i32, i32) {
    %c0_i32 = arith.constant 0 : i32
    %c0_i32_0 = arith.constant 0 : i32
    return %arg0, %c0_i32 : i32, i32
  }
  func.func @transform_3(%arg0: i32) -> (i32, i32) {
    %c0_i32 = arith.constant 0 : i32
    %c0_i32_0 = arith.constant 0 : i32
    %c0_i32_1 = arith.constant 0 : i32
    return %c0_i32, %c0_i32_0 : i32, i32
  }
  func.func @transform_4(%arg0: i32) -> (i32, i32) {
    %c0_i32 = arith.constant 0 : i32
    %c0_i32_0 = arith.constant 0 : i32
    %c0_i32_1 = arith.constant 0 : i32
    return %c0_i32, %c0_i32_0 : i32, i32
  }
  func.func @transform_5(%arg0: i32) -> (i32, i32) {
    %c0_i32 = arith.constant 0 : i32
    %c0_i32_0 = arith.constant 0 : i32
    %c0_i32_1 = arith.constant 0 : i32
    return %c0_i32, %c0_i32_0 : i32, i32
  }
  func.func @transform_6(%arg0: i32) -> (i32, i32) {
    %c0_i32 = arith.constant 0 : i32
    %c0_i32_0 = arith.constant 0 : i32
    return %arg0, %c0_i32 : i32, i32
  }
  func.func @transform_7(%arg0: i32) -> (i32, i32) {
    %c0_i32 = arith.constant 0 : i32
    %c0_i32_0 = arith.constant 0 : i32
    %c0_i32_1 = arith.constant 0 : i32
    return %c0_i32, %c0_i32_0 : i32, i32
  }
}

</mosaic_0001>

<sc_bundles>
// kernel: kernel.11.cloned.1.call-start
scs
__scs_entry_jumppad:
0x0: {  	(pc) =	sbr.rel $0x88, $3  }
0x1: {  	(tag) =	ssettag $0x0;
	lr =	simm.s32 $0x1  }
0x2: {  	[smem:$0x3F97] =	sst lr;
	_ =	strace $0xD0000000  }
0x3: {  	_ = 	snop  }
0x4: {  	_ = 	snop  }
0x5: {  	_ = 	snop  }
0x6: {  	_ = 	snop  }
0x7: {  	_ = 	snop  }
__scs_overlays_trampoline_lowered:
0x8: {  	[smem:$0x3FA6] =	sst s0  }
0x9: {  	[smem:$0x3FA7] =	sst s1  }
0xa: {  	[smem:$0x3FA8] =	sst s2  }
0xb: {  	[smem:$0x3FA9] =	sst s3  }
0xc: {  	[smem:$0x3FAA] =	sst s4  }
0xd: {  	[smem:$0x3FAB] =	sst s5  }
0xe: {  	[smem:$0x3FAC] =	sst s6  }
0xf: {  	[smem:$0x3FAD] =	sst s7  }
0x10: {  	[smem:$0x3FAE] =	sst s8  }
0x11: {  	[smem:$0x3FAF] =	sst s9;
	s0 =	simm.s32 @!p0 $0x0  }
0x12: {  	s1 =	sld [smem:$0x3F95];
	s0 =	simm.s32 @p0 $0x1  }
0x13: {  	[smem:$0x3FB0] =	sst s0;
	s0 =	simm.s32 @!p1 $0x0  }
0x14: {  	s2 =	sld [smem:$0x3F94];
	s0 =	simm.s32 @p1 $0x1  }
0x15: {  	[smem:$0x3FB1] =	sst s0;
	s0 =	simm.s32 @!p2 $0x0  }
0x16: {  	s3 =	sld [smem:$0x3FDB];
	s0 =	simm.s32 @p2 $0x1  }
0x17: {  	s4 =	simm.s32 $0x1BF5;
	[smem:$0x3FB3] =	sst s0  }
0x18: {  	s0 =	sld [smem:$0x3F96];
	_ =	swait.ge [sflag:s4], $0x0  }
0x19: {  	s7 =	sld [smem:$0x3F97]  }
0x1a: {  	s8 =	sadd.s32 $0xFFFFE003, lr  }
0x1b: {  	s9 =	sadd.s32 $0xFFFFFEF7, lr;
	s5 =	simm.s32 $0xFFFFFFFF;
	p2 =	slt.u32 s8, $0xFFFFF086  }
0x1c: {  	p1 =	slt.u32 s9, $0xF7A;
	s5 =	simm.s32 @!p2 $0x0  }
0x1d: {  	s5 =	simm.s32 @p1 $0x1;
	p0 =	seq.s32 s7, s2  }
0x1e: {  	s7 =	smul.u32 @!p0 $0xF7A, s2;
	p2 =	seq.s32 @!p0 s5, $0x0  }
0x1f: {  	s9 =	smul.u32 $0xF7A, s1;
	s8 =	simm.s32 @!p0 $0x1BF5;
	p2 =	por !p2, p0  }
0x20: {  	[sflag:s8] =	ssyncset.s32 @!p0 $0xFFFFF086;
	s6 =	sadd.s32 @!p0 s3, s7;
	s7 =	simm.s32 @!p0 $0x108  }
0x21: {  	s3 =	sadd.s32 s3, s9;
	s6 =	sadd.s32 @!p0 $0x88, s6;
	s7 =	simm.s32 @p2 $0x1082  }
0x22: {  	[simem:s7], [sflag:s8] =	dma.local @!p0 [hbm:s6], $0xF7A  }
0x23: {  	s9 =	sor.u32 $0xD0000000, s2;
	s6 =	simm.s32 $0x108;
	_ =	swait.ge @!p0 [sflag:s8], $0x0  }
0x24: {  	s3 =	sadd.s32 $0x88, s3;
	s6 =	simm.s32 @!p1 $0x1082;
	[sflag:s4] =	ssyncset.s32 $0xFFFFF086  }
0x25: {  	[simem:s6], [sflag:s4] =	dma.local [hbm:s3], $0xF7A  }
0x26: {  	[smem:$0x3F97] =	sst s1;
	(tag) =	ssettag s2;
	_ =	strace s9  }
0x27: {  	s1 =	sld [smem:$0x3FA7]  }
0x28: {  	s2 =	sld [smem:$0x3FA8]  }
0x29: {  	s4 =	sld [smem:$0x3FAA]  }
0x2a: {  	p0 =	seq.s32 s5, $0x0;
	s5 =	sld [smem:$0x3FAB]  }
0x2b: {  	s6 =	sld [smem:$0x3FAC]  }
0x2c: {  	s7 =	sld [smem:$0x3FAD]  }
0x2d: {  	s3 =	simm.s32 $0x108;
	s8 =	sld [smem:$0x3FAE]  }
0x2e: {  	s3 =	simm.s32 @!p0 $0x1082;
	s9 =	sld [smem:$0x3FAF]  }
0x2f: {  	lr =	sadd.s32 s0, s3;
	s0 =	sld [smem:$0x3FA6]  }
0x30: {  	s3 =	sld [smem:$0x3FA9]  }
0x31: {  	[smem:$0x3FB2] =	sst s10  }
0x32: {  	s10 =	sld [smem:$0x3FB0];
	_ =	sdelay $0x3  }
0x33: {  	p0 =	seq.s32 s10, $0x1;
	s10 =	sld [smem:$0x3FB2];
	_ =	sdelay $0x3  }
0x34: {  	[smem:$0x3FB2] =	sst s10  }
0x35: {  	s10 =	sld [smem:$0x3FB1];
	_ =	sdelay $0x3  }
0x36: {  	p1 =	seq.s32 s10, $0x1;
	s10 =	sld [smem:$0x3FB2];
	_ =	sdelay $0x3  }
0x37: {  	[smem:$0x3FB2] =	sst s10  }
0x38: {  	s10 =	sld [smem:$0x3FB3]  }
0x39: {  	_ = 	snop;
	(pc) =	sbr.ind lr, $3  }
0x3a: {  	_ = 	snop  }
0x3b: {  	_ = 	snop  }
0x3c: {  	p2 =	seq.s32 s10, $0x1;
	s10 =	sld [smem:$0x3FB2]  }
0x3d: {  	_ =	shalt  }
0x3e: {  	_ =	shalt  }
0x3f: {  	_ =	shalt  }
0x40: {  	_ =	shalt  }
0x41: {  	_ =	shalt  }
0x42: {  	_ =	shalt  }
0x43: {  	_ =	shalt  }
0x44: {  	_ =	shalt  }
0x45: {  	_ =	shalt  }
0x46: {  	_ =	shalt  }
0x47: {  	_ =	shalt  }
0x48: {  	_ =	shalt  }
0x49: {  	_ =	shalt  }
0x4a: {  	_ =	shalt  }
0x4b: {  	_ =	shalt  }
0x4c: {  	_ =	shalt  }
0x4d: {  	_ =	shalt  }
0x4e: {  	_ =	shalt  }
0x4f: {  	_ =	shalt  }
0x50: {  	_ =	shalt  }
0x51: {  	_ =	shalt  }
0x52: {  	_ =	shalt  }
0x53: {  	_ =	shalt  }
0x54: {  	_ =	shalt  }
0x55: {  	_ =	shalt  }
0x56: {  	_ =	shalt  }
0x57: {  	_ =	shalt  }
0x58: {  	_ =	shalt  }
0x59: {  	_ =	shalt  }
0x5a: {  	_ =	shalt  }
0x5b: {  	_ =	shalt  }
0x5c: {  	_ =	shalt  }
0x5d: {  	_ =	shalt  }
0x5e: {  	_ =	shalt  }
0x5f: {  	_ =	shalt  }
0x60: {  	_ =	shalt  }
0x61: {  	_ =	shalt  }
0x62: {  	_ =	shalt  }
0x63: {  	_ =	shalt  }
0x64: {  	_ =	shalt  }
0x65: {  	_ =	shalt  }
0x66: {  	_ =	shalt  }
0x67: {  	_ =	shalt  }
0x68: {  	_ =	shalt  }
0x69: {  	_ =	shalt  }
0x6a: {  	_ =	shalt  }
0x6b: {  	_ =	shalt  }
0x6c: {  	_ =	shalt  }
0x6d: {  	_ =	shalt  }
0x6e: {  	_ =	shalt  }
0x6f: {  	_ =	shalt  }
0x70: {  	_ =	shalt  }
0x71: {  	_ =	shalt  }
0x72: {  	_ =	shalt  }
0x73: {  	_ =	shalt  }
0x74: {  	_ =	shalt  }
0x75: {  	_ =	shalt  }
0x76: {  	_ =	shalt  }
0x77: {  	_ =	shalt  }
0x78: {  	_ =	shalt  }
0x79: {  	_ =	shalt  }
0x7a: {  	_ =	shalt  }
0x7b: {  	_ =	shalt  }
0x7c: {  	_ =	shalt  }
0x7d: {  	_ =	shalt  }
0x7e: {  	_ =	shalt  }
0x7f: {  	_ =	shalt  }
0x80: {  	_ =	shalt  }
0x81: {  	_ =	shalt  }
0x82: {  	_ =	shalt  }
0x83: {  	_ =	shalt  }
0x84: {  	_ =	shalt  }
0x85: {  	_ =	shalt  }
0x86: {  	_ =	shalt  }
0x87: {  	_ =	shalt  }
.Lfunc_end0:
.L_simem_size_0:
called_computation_lowered:
.L_overlay_start_0:
0x88: {  	s2 =	sld [smem:$0x3FD9]  }
0x89: {  	s3 =	sld [smem:$0x3FFE];
	_ =	sdelay $0x1  }
0x8a: {  	s1 =	srdreg.scid  }
0x8b: {  	s0 =	sand.u32 $0x1, s1  }
0x8c: {  	s14 =	sshll.u32 s0, $0xA;
	s2 =	sadd.s32 s3, s2  }
0x8d: {  	s2 =	sadd.s32 s2, s14  }
0x8e: {  	[smem:$0x3FBE] =	sst s2  }
0x8f: {  	_ = 	snop  }
0x90: {  	s2 =	sld [smem:$0x3FD0];
	_ =	sdelay $0x2  }
0x91: {  	s15 =	simm.s32 $0xA;
	s4 =	simm.s32 $0x10  }
0x92: {  	[smem:s4], [sflag:s15] =	dma.local [hbm:s2], $0x1  }
0x93: {  	_ =	swait.eq [sflag:s15], $0x1  }
0x94: {  	[sflag:s15] =	ssyncset.done $0x0  }
0x95: {  	[sflag:s15] =	ssyncadd.s32 $0xFFFFFFFF  }
0x96: {  	s16 =	sld [smem:$0x10];
	(tm) =	ssettm $0x1  }
0x97: {  	s17 =	sld [smem:$0x3FFB];
	_ =	sdelay $0x3  }
0x98: {  	_ =	strace s17  }
0x99: {  	s3 =	sld [smem:$0x3FFC];
	_ =	sdelay $0x3  }
0x9a: {  	_ =	strace s3  }
0x9b: {  	s3 =	sld [smem:$0x3FFD];
	_ =	sdelay $0x3  }
0x9c: {  	_ =	strace s3  }
0x9d: {  	_ =	strace $0x8FFFFFFF  }
0x9e: {  	s18 =	sld [smem:$0x3FDB];
	_ =	sdelay $0x1  }
0x9f: {  	s19 =	simm.s32 $_scs_section_size  }
0xa0: {  	s5 =	simm.s32 $_size__tile_overlayer_lowered;
	s6 =	simm.s32 $_tile_overlayer_lowered  }
0xa1: {  	s22 =	simm.s32 $0x1BFF;
	s21 =	sshll.u32 s6, $0x1;
	s3 =	sadd.s32 s19, s18  }
0xa2: {  	s7 =	simm.s32 $0x0;
	s20 =	sshll.u32 s5, $0x1;
	s5 =	sadd.s32 s21, s3  }
0xa3: {  	[timem:s7], [sflag:s22] =	dma.local [hbm:s5], s20  }
0xa4: {  	_ =	swait.ge [sflag:s22], s20  }
0xa5: {  	s4 =	ssub.s32 $0x0, s20;
	[sflag:s22] =	ssyncset.done $0x0  }
0xa6: {  	[sflag:s22] =	ssyncadd.s32 s4;
	_ =	sdelay $0x1  }
0xa7: {  	s23 =	simm.s32 $0x1B8B  }
0xa8: {  	_ =	swait.ge [sflag:s23], $0x1  }
0xa9: {  	[sflag:s23] =	ssyncset.done $0x0  }
0xaa: {  	s25 =	simm.s32 $0x1B8E;
	s24 =	sld [smem:$0x3FFE];
	[sflag:s23] =	ssyncadd.s32 $0xFFFFFFFF  }
0xab: {  	s26 =	simm.s32 $execute0_lowered;
	[smem:$0x3FD2] =	sst s25  }
0xac: {  	s5 =	sshll.u32 s26, $0x1;
	_ =	strace $0x80000046;
	[dreg:$0x1] =	wrdreg $0xFFFFFFFF  }
0xad: {  	s28 =	simm.s32 $_size_execute0_lowered;
	s3 =	sadd.s32 s3, s5;
	[dreg:$0x0] =	wrdreg $0x0  }
0xae: {  	s5 =	sshll.u32 s28, $0x1;
	[dreg:$0x2] =	wrdreg s3  }
0xaf: {  	[dreg:$0x3] =	wrdreg s5  }
0xb0: {  	[dreg:$0x4] =	wrdreg $0xC0  }
0xb1: {  	_ =	task [dreg:s7], $0x5FFFF  }
0xb2: {  	[dreg:$0x1] =	wrdreg $0xFFFFFFFF  }
0xb3: {  	[dreg:$0x0] =	wrdreg $0x60  }
0xb4: {  	[dreg:$0x2] =	wrdreg s24  }
0xb5: {  	[dreg:$0x3] =	wrdreg s16  }
0xb6: {  	[dreg:$0x4] =	wrdreg $0x0  }
0xb7: {  	[dreg:$0x5] =	wrdreg $0x9  }
0xb8: {  	_ =	task.clear_ibuf [dreg:s7], $0x6FFFF;
	_ =	strace $0x90000046  }
0xb9: {  	s29 =	simm.s32 $0x9;
	_ =	strace $0x80000048  }
0xba: {  	_ =	swait.ge [sflag:s29], $0x1  }
0xbb: {  	[sflag:s29] =	ssyncadd.s32 $0xFFFFFFFF  }
0xbc: {  	_ =	strace $0x90000048  }
0xbd: {  	_ =	sfence  }
0xbe: {  	s30 =	sld [smem:$0x0];
	_ =	sdelay $0x2  }
0xbf: {  	s31 =	sshll.u32 s1, $0xD;
	s1 =	sshrl.u32 s1, $0x2  }
0xc0: {  	s3 =	sand.u32 $0x4000, s31;
	s1 =	sadd.s32 s1, s30  }
0xc1: {  	s0 =	sor.u32 s3, s0;
	s1 =	sshll.u32 s1, $0x11  }
0xc2: {  	s0 =	sor.u32 s1, s0  }
0xc3: {  	s0 =	sadd.s32 $0x8F2B, s0  }
0xc4: {  	[sflag:s0] =	ssyncadd.remote.s32 $0x1  }
0xc5: {  	_ =	sfence.sel $0xFFFF  }
0xc6: {  	[dreg:$0x0] =	wrdreg $0xFFFFFFFF;
	(pc) =	sbr.abs _section_cstart, $3  }
0xc7: {  	[dreg:$0x1] =	wrdreg $0xFFFFFFFF  }
0xc8: {  	_ =	task.clear_ibuf [dreg:s7], $0x2FFFF;
	_ =	strace $0x9FFFFFFF  }
0xc9: {  	(tm) =	ssettm $0x7FFFFFFF  }
tec
execute0_lowered:
.L_overlay_start_1:
0x0: {  	(tag) =	ssettag $0x1  }
0x1: {  	s4 =	rddreg [dreg:$0x0]  }
0x2: {  	s5 =	rddreg [dreg:$0x1]  }
0x3: {  	s0 =	srdreg.scid;
	s2 =	rddreg [dreg:$0x2]  }
0x4: {  	s1 =	stileid.u32;
	s3 =	simm.s32 $0x0;
	s12 =	simm.s32 $0x300  }
0x5: {  	s6 =	sand.u32 $0x1, s0;
	s0 =	rddreg [dreg:$0x3];
	s8 =	smul.u32 $0x280, s1  }
0x6: {  	s15 =	simm.s32 $0x0;
	[smem:$0x7FF] =	sst s3;
	s11 =	smul.u32 $0x9D0, s1  }
0x7: {  	s13 =	sshll.u32 s1, $0x6;
	s7 =	smul.u32 $0x9D00, s6;
	s9 =	ssub.s32 $0x2, s6  }
0x8: {  	s6 =	smul.u32 $0x2800, s6;
	_ =	strace $0x80000047;
	s10 =	sshrl.u32 s9, $0x1  }
0x9: {  	s13 =	sor.u32 $0x1C01, s13;
	s7 =	sadd.s32 s7, s4;
	s9 =	ssub.s32 s9, s10  }
0xa: {  	s6 =	sadd.s32 s8, s6;
	s4 =	sadd.s32 s8, s2;
	s8 =	simm.s32 $0x380  }
0xb: {  	s10 =	simm.s32 $0x280;
	s6 =	sshrl.u32 s6, $0x3;
	s7 =	sadd.s32 s11, s7  }
0xc: {  	s11 =	simm.s32 $0x80;
	s14 =	sshrl.u32 s4, $0x3;
	s5 =	sadd.s32 s5, s6  }
0xd: {  	v0 =	vimm.f32 $1.000000000e+00;
	v1 =	vimm.f32 $0.0e+00;
	s6 =	smax.u32 s9, $0x1;
	s7 =	sadd.s32 $0x17600, s7;
	s9 =	simm.s32 $0x1  }
.LBB2_1:
0xe: {  	[tilespmem:$0x300] =	vst v0  }
0xf: {  	[tilespmem:$0x310] =	vst v0  }
0x10: {  	[tilespmem:$0x320] =	vst v0  }
0x11: {  	[tilespmem:$0x330] =	vst v0  }
0x12: {  	[tilespmem:$0x340] =	vst v0  }
0x13: {  	[tilespmem:$0x350] =	vst v0  }
0x14: {  	[tilespmem:$0x360] =	vst v0  }
0x15: {  	[tilespmem:$0x370] =	vst v0  }
0x16: {  	[tilespmem:$0x380] =	vst v1  }
0x17: {  	[tilespmem:$0x390] =	vst v1  }
0x18: {  	[tilespmem:$0x3A0] =	vst v1  }
0x19: {  	[tilespmem:$0x3B0] =	vst v1  }
0x1a: {  	[tilespmem:$0x3C0] =	vst v1  }
0x1b: {  	[tilespmem:$0x3D0] =	vst v1  }
0x1c: {  	[tilespmem:$0x3E0] =	vst v1  }
0x1d: {  	[tilespmem:$0x3F0] =	vst v1  }
0x1e: {  	[tilespmem:$0x400] =	vst v1  }
0x1f: {  	[tilespmem:$0x410] =	vst v1  }
0x20: {  	[tilespmem:$0x420] =	vst v1  }
0x21: {  	[tilespmem:$0x430] =	vst v1  }
0x22: {  	[tilespmem:$0x440] =	vst v1  }
0x23: {  	[tilespmem:$0x450] =	vst v1  }
0x24: {  	[tilespmem:$0x460] =	vst v1  }
0x25: {  	[tilespmem:$0x470] =	vst v1  }
0x26: {  	[tilespmem:$0x480] =	vst v1  }
0x27: {  	[tilespmem:$0x490] =	vst v1  }
0x28: {  	[tilespmem:$0x4A0] =	vst v1  }
0x29: {  	[tilespmem:$0x4B0] =	vst v1  }
0x2a: {  	[tilespmem:$0x4C0] =	vst v1  }
0x2b: {  	[tilespmem:$0x4D0] =	vst v1  }
0x2c: {  	[tilespmem:$0x4E0] =	vst v1  }
0x2d: {  	[tilespmem:$0x4F0] =	vst v1  }
0x2e: {  	[tilespmem:$0x500] =	vst v1  }
0x2f: {  	[tilespmem:$0x510] =	vst v1  }
0x30: {  	[tilespmem:$0x520] =	vst v1  }
0x31: {  	[tilespmem:$0x530] =	vst v1  }
0x32: {  	[tilespmem:$0x540] =	vst v1  }
0x33: {  	[tilespmem:$0x550] =	vst v1  }
0x34: {  	[tilespmem:$0x560] =	vst v1  }
0x35: {  	[tilespmem:$0x570] =	vst v1  }
0x36: {  	[tilespmem:$0x580] =	vst v1  }
0x37: {  	[tilespmem:$0x590] =	vst v1  }
0x38: {  	[tilespmem:$0x5A0] =	vst v1  }
0x39: {  	[tilespmem:$0x5B0] =	vst v1  }
0x3a: {  	[tilespmem:$0x5C0] =	vst v1  }
0x3b: {  	[tilespmem:$0x5D0] =	vst v1  }
0x3c: {  	[tilespmem:$0x5E0] =	vst v1  }
0x3d: {  	[tilespmem:$0x5F0] =	vst v1  }
0x3e: {  	[spmem:s4] =	stream.linear.scatter [tilespmem:s8], [sflag:$0x1], $0x280, $0x38;
	[tilespmem:$0x600] =	vst v63  }
0x3f: {  	_ =	swait.ge [sflag:s9], $0x280  }
0x40: {  	[sflag:s9] =	ssyncset.done $0x0  }
0x41: {  	[sflag:s9] =	ssyncadd.s32 $0xFFFFFD80  }
0x42: {  	s16 =	sadd.s32 $0x0, s7;
	[bflag:$0x0] =	sbarrier.arrive $0xFFFF  }
0x43: {  	[tilespmem:s10], [sflag:$0x1] =	stream.linear.gather [hbm4b:s16+s3], $0x80, $0x38;
	[tilespmem:$0x600] =	vst v63  }
0x44: {  	_ =	swait.ge [sflag:s9], $0x80  }
0x45: {  	[sflag:s9] =	ssyncset.done $0x0  }
0x46: {  	[sflag:s9] =	ssyncadd.s32 $0xFFFFFF80  }
0x47: {  	[spmem:s2] =	stream.indirect.scatter.add.f32 [tilespmem:s12], [sflag:$0x1], $0x1, s10, s11, $0xb8;
	[tilespmem:$0x600] =	vst v63  }
0x48: {  	_ =	swait.ge [sflag:s9], $0x80  }
0x49: {  	s17 =	simm.s32 $0x20;
	s16 =	simm.s32 $0x10;
	[sflag:s9] =	ssyncset.done $0x0  }
.LBB2_2:
0x4a: {  	s18 =	sadd.s32 s16, s7  }
0x4b: {  	[sflag:s9] =	ssyncadd.s32 $0xFFFFFF80;
	s16 =	smov.u32 s17;
	s19 =	sadd.s32 $0x10, s17  }
0x4c: {  	[tilespmem:s10], [sflag:$0x1] =	stream.linear.gather [hbm4b:s18+s3], $0x80, $0x38;
	[tilespmem:$0x600] =	vst v63  }
0x4d: {  	p0 =	sne.s32 s17, $0x9C0;
	_ =	swait.ge [sflag:s9], $0x80  }
.Ltmp0:
0x4e: {  	[sflag:s9] =	ssyncset.done $0x0;
	(pc) =	sbr.rel @p0 .LBB2_2-.Ltmp0, $4  }
0x4f: {  	[sflag:s9] =	ssyncadd.s32 $0xFFFFFF80  }
0x50: {  	[spmem:s2] =	stream.indirect.scatter.add.f32 [tilespmem:s12], [sflag:$0x1], $0x1, s10, s11, $0xb8;
	[tilespmem:$0x600] =	vst v63  }
0x51: {  	_ =	swait.ge [sflag:s9], $0x80  }
0x52: {  	s17 =	smov.u32 s19;
	[sflag:s9] =	ssyncset.done $0x0  }
0x53: {  	s16 =	sadd.s32 s16, s7;
	[sflag:s9] =	ssyncadd.s32 $0xFFFFFF80  }
0x54: {  	[tilespmem:s10], [sflag:$0x1] =	stream.linear.gather [hbm4b:s16+s3], $0x80, $0x38;
	[tilespmem:$0x600] =	vst v63  }
0x55: {  	_ =	swait.ge [sflag:s9], $0x80  }
0x56: {  	[sflag:s9] =	ssyncset.done $0x0  }
0x57: {  	[sflag:s9] =	ssyncadd.s32 $0xFFFFFF80  }
0x58: {  	[spmem:s2] =	stream.indirect.scatter.add.f32 [tilespmem:s12], [sflag:$0x1], $0x1, s10, s11, $0xb8;
	[tilespmem:$0x600] =	vst v63  }
0x59: {  	_ =	swait.ge [sflag:s9], $0x80  }
0x5a: {  	s15 =	sadd.s32 $0x1, s15;
	[sflag:s9] =	ssyncset.done $0x0  }
0x5b: {  	p0 =	sne.s32 s15, s6;
	[sflag:s9] =	ssyncadd.s32 $0xFFFFFF80  }
.Ltmp1:
0x5c: {  	[bflag:$0x0] =	sbarrier.arrive $0xFFFF;
	(pc) =	sbr.rel @p0 .LBB2_1-.Ltmp1, $4  }
0x5d: {  	[hbm:s5], [sflag:s13] =	dma.local [spmem:s14], $0x50  }
0x5e: {  	_ =	swait.ge [sflag:s9], $0x50  }
0x5f: {  	[sflag:s9] =	ssyncset.done $0x0  }
0x60: {  	[sflag:s9] =	ssyncadd.s32 $0xFFFFFFB0  }
0x61: {  	_ =	sfence.sel $0x180000  }
0x62: {  	[bflag:$0x0] =	sbarrier.arrive $0xFFFF  }
0x63: {  	p0 =	sne.s32 s1, $0x0;
	_ =	strace $0x90000047  }
0x64: {  	s0 =	sadd.s32 @!p0 $0x100000, s0;
	[bflag:$0x2] =	sbarrier.arrive $0xFFFF  }
0x65: {  	[sflag:s0] =	ssyncadd.tile.s32 @!p0 $0x1;
	_ =	shalt  }
.Lfunc_end2:
_tile_overlayer_lowered:
.L_overlay_start_2:
0x66: {  	(tag) =	ssettag $0x2  }
0x67: {  	s0 =	rddreg [dreg:$0x0];
	s2 =	stileid.u32  }
0x68: {  	s1 =	rddreg [dreg:$0x1];
	p0 =	sne.s32 s2, $0x0  }
0x69: {  	s3 =	rddreg [dreg:$0x2];
	[bflag:$0x3] =	sbarrier.arrive $0xFFFF;
	s2 =	simm.s32 @!p0 $0x1C01  }
0x6a: {  	[timem:s3], [sflag:s2] =	dma.local @!p0 [hbm:s0], s1  }
0x6b: {  	s0 =	simm.s32 @!p0 $0x1  }
0x6c: {  	_ =	swait.ge @!p0 [sflag:s0], s1  }
0x6d: {  	s1 =	ssub.s32 @!p0 $0x0, s1;
	[sflag:s0] =	ssyncset.done @!p0 $0x0  }
0x6e: {  	[sflag:s0] =	ssyncadd.s32 @!p0 s1  }
0x6f: {  	[bflag:$0x3] =	sbarrier.arrive $0xFFFF  }
0x70: {  	_ =	shalt  }

// kernel: kernel.14.cloned.1.call-start
scs
__scs_entry_jumppad:
0x0: {  	(pc) =	sbr.rel $0x88, $3  }
0x1: {  	(tag) =	ssettag $0x0;
	lr =	simm.s32 $0x1  }
0x2: {  	[smem:$0x3F97] =	sst lr;
	_ =	strace $0xD0000000  }
0x3: {  	_ = 	snop  }
0x4: {  	_ = 	snop  }
0x5: {  	_ = 	snop  }
0x6: {  	_ = 	snop  }
0x7: {  	_ = 	snop  }
__scs_overlays_trampoline_lowered:
0x8: {  	[smem:$0x3FA6] =	sst s0  }
0x9: {  	[smem:$0x3FA7] =	sst s1  }
0xa: {  	[smem:$0x3FA8] =	sst s2  }
0xb: {  	[smem:$0x3FA9] =	sst s3  }
0xc: {  	[smem:$0x3FAA] =	sst s4  }
0xd: {  	[smem:$0x3FAB] =	sst s5  }
0xe: {  	[smem:$0x3FAC] =	sst s6  }
0xf: {  	[smem:$0x3FAD] =	sst s7  }
0x10: {  	[smem:$0x3FAE] =	sst s8  }
0x11: {  	[smem:$0x3FAF] =	sst s9;
	s0 =	simm.s32 @!p0 $0x0  }
0x12: {  	s1 =	sld [smem:$0x3F95];
	s0 =	simm.s32 @p0 $0x1  }
0x13: {  	[smem:$0x3FB0] =	sst s0;
	s0 =	simm.s32 @!p1 $0x0  }
0x14: {  	s2 =	sld [smem:$0x3F94];
	s0 =	simm.s32 @p1 $0x1  }
0x15: {  	[smem:$0x3FB1] =	sst s0;
	s0 =	simm.s32 @!p2 $0x0  }
0x16: {  	s3 =	sld [smem:$0x3FDB];
	s0 =	simm.s32 @p2 $0x1  }
0x17: {  	s4 =	simm.s32 $0x1BF5;
	[smem:$0x3FB3] =	sst s0  }
0x18: {  	s0 =	sld [smem:$0x3F96];
	_ =	swait.ge [sflag:s4], $0x0  }
0x19: {  	s7 =	sld [smem:$0x3F97]  }
0x1a: {  	s8 =	sadd.s32 $0xFFFFE003, lr  }
0x1b: {  	s9 =	sadd.s32 $0xFFFFFEF7, lr;
	s5 =	simm.s32 $0xFFFFFFFF;
	p2 =	slt.u32 s8, $0xFFFFF086  }
0x1c: {  	p1 =	slt.u32 s9, $0xF7A;
	s5 =	simm.s32 @!p2 $0x0  }
0x1d: {  	s5 =	simm.s32 @p1 $0x1;
	p0 =	seq.s32 s7, s2  }
0x1e: {  	s7 =	smul.u32 @!p0 $0xF7A, s2;
	p2 =	seq.s32 @!p0 s5, $0x0  }
0x1f: {  	s9 =	smul.u32 $0xF7A, s1;
	s8 =	simm.s32 @!p0 $0x1BF5;
	p2 =	por !p2, p0  }
0x20: {  	[sflag:s8] =	ssyncset.s32 @!p0 $0xFFFFF086;
	s6 =	sadd.s32 @!p0 s3, s7;
	s7 =	simm.s32 @!p0 $0x108  }
0x21: {  	s3 =	sadd.s32 s3, s9;
	s6 =	sadd.s32 @!p0 $0x88, s6;
	s7 =	simm.s32 @p2 $0x1082  }
0x22: {  	[simem:s7], [sflag:s8] =	dma.local @!p0 [hbm:s6], $0xF7A  }
0x23: {  	s9 =	sor.u32 $0xD0000000, s2;
	s6 =	simm.s32 $0x108;
	_ =	swait.ge @!p0 [sflag:s8], $0x0  }
0x24: {  	s3 =	sadd.s32 $0x88, s3;
	s6 =	simm.s32 @!p1 $0x1082;
	[sflag:s4] =	ssyncset.s32 $0xFFFFF086  }
0x25: {  	[simem:s6], [sflag:s4] =	dma.local [hbm:s3], $0xF7A  }
0x26: {  	[smem:$0x3F97] =	sst s1;
	(tag) =	ssettag s2;
	_ =	strace s9  }
0x27: {  	s1 =	sld [smem:$0x3FA7]  }
0x28: {  	s2 =	sld [smem:$0x3FA8]  }
0x29: {  	s4 =	sld [smem:$0x3FAA]  }
0x2a: {  	p0 =	seq.s32 s5, $0x0;
	s5 =	sld [smem:$0x3FAB]  }
0x2b: {  	s6 =	sld [smem:$0x3FAC]  }
0x2c: {  	s7 =	sld [smem:$0x3FAD]  }
0x2d: {  	s3 =	simm.s32 $0x108;
	s8 =	sld [smem:$0x3FAE]  }
0x2e: {  	s3 =	simm.s32 @!p0 $0x1082;
	s9 =	sld [smem:$0x3FAF]  }
0x2f: {  	lr =	sadd.s32 s0, s3;
	s0 =	sld [smem:$0x3FA6]  }
0x30: {  	s3 =	sld [smem:$0x3FA9]  }
0x31: {  	[smem:$0x3FB2] =	sst s10  }
0x32: {  	s10 =	sld [smem:$0x3FB0];
	_ =	sdelay $0x3  }
0x33: {  	p0 =	seq.s32 s10, $0x1;
	s10 =	sld [smem:$0x3FB2];
	_ =	sdelay $0x3  }
0x34: {  	[smem:$0x3FB2] =	sst s10  }
0x35: {  	s10 =	sld [smem:$0x3FB1];
	_ =	sdelay $0x3  }
0x36: {  	p1 =	seq.s32 s10, $0x1;
	s10 =	sld [smem:$0x3FB2];
	_ =	sdelay $0x3  }
0x37: {  	[smem:$0x3FB2] =	sst s10  }
0x38: {  	s10 =	sld [smem:$0x3FB3]  }
0x39: {  	_ = 	snop;
	(pc) =	sbr.ind lr, $3  }
0x3a: {  	_ = 	snop  }
0x3b: {  	_ = 	snop  }
0x3c: {  	p2 =	seq.s32 s10, $0x1;
	s10 =	sld [smem:$0x3FB2]  }
0x3d: {  	_ =	shalt  }
0x3e: {  	_ =	shalt  }
0x3f: {  	_ =	shalt  }
0x40: {  	_ =	shalt  }
0x41: {  	_ =	shalt  }
0x42: {  	_ =	shalt  }
0x43: {  	_ =	shalt  }
0x44: {  	_ =	shalt  }
0x45: {  	_ =	shalt  }
0x46: {  	_ =	shalt  }
0x47: {  	_ =	shalt  }
0x48: {  	_ =	shalt  }
0x49: {  	_ =	shalt  }
0x4a: {  	_ =	shalt  }
0x4b: {  	_ =	shalt  }
0x4c: {  	_ =	shalt  }
0x4d: {  	_ =	shalt  }
0x4e: {  	_ =	shalt  }
0x4f: {  	_ =	shalt  }
0x50: {  	_ =	shalt  }
0x51: {  	_ =	shalt  }
0x52: {  	_ =	shalt  }
0x53: {  	_ =	shalt  }
0x54: {  	_ =	shalt  }
0x55: {  	_ =	shalt  }
0x56: {  	_ =	shalt  }
0x57: {  	_ =	shalt  }
0x58: {  	_ =	shalt  }
0x59: {  	_ =	shalt  }
0x5a: {  	_ =	shalt  }
0x5b: {  	_ =	shalt  }
0x5c: {  	_ =	shalt  }
0x5d: {  	_ =	shalt  }
0x5e: {  	_ =	shalt  }
0x5f: {  	_ =	shalt  }
0x60: {  	_ =	shalt  }
0x61: {  	_ =	shalt  }
0x62: {  	_ =	shalt  }
0x63: {  	_ =	shalt  }
0x64: {  	_ =	shalt  }
0x65: {  	_ =	shalt  }
0x66: {  	_ =	shalt  }
0x67: {  	_ =	shalt  }
0x68: {  	_ =	shalt  }
0x69: {  	_ =	shalt  }
0x6a: {  	_ =	shalt  }
0x6b: {  	_ =	shalt  }
0x6c: {  	_ =	shalt  }
0x6d: {  	_ =	shalt  }
0x6e: {  	_ =	shalt  }
0x6f: {  	_ =	shalt  }
0x70: {  	_ =	shalt  }
0x71: {  	_ =	shalt  }
0x72: {  	_ =	shalt  }
0x73: {  	_ =	shalt  }
0x74: {  	_ =	shalt  }
0x75: {  	_ =	shalt  }
0x76: {  	_ =	shalt  }
0x77: {  	_ =	shalt  }
0x78: {  	_ =	shalt  }
0x79: {  	_ =	shalt  }
0x7a: {  	_ =	shalt  }
0x7b: {  	_ =	shalt  }
0x7c: {  	_ =	shalt  }
0x7d: {  	_ =	shalt  }
0x7e: {  	_ =	shalt  }
0x7f: {  	_ =	shalt  }
0x80: {  	_ =	shalt  }
0x81: {  	_ =	shalt  }
0x82: {  	_ =	shalt  }
0x83: {  	_ =	shalt  }
0x84: {  	_ =	shalt  }
0x85: {  	_ =	shalt  }
0x86: {  	_ =	shalt  }
0x87: {  	_ =	shalt  }
.Lfunc_end0:
.L_simem_size_0:
called_computation.1_lowered:
.L_overlay_start_0:
0x88: {  	s2 =	sld [smem:$0x3FD9]  }
0x89: {  	s3 =	sld [smem:$0x3FFE];
	_ =	sdelay $0x1  }
0x8a: {  	s1 =	srdreg.scid  }
0x8b: {  	s0 =	sand.u32 $0x1, s1  }
0x8c: {  	s14 =	sshll.u32 s0, $0xA;
	s2 =	sadd.s32 s3, s2  }
0x8d: {  	s2 =	sadd.s32 s2, s14  }
0x8e: {  	[smem:$0x3FBE] =	sst s2  }
0x8f: {  	_ = 	snop  }
0x90: {  	s2 =	sld [smem:$0x3FD0];
	_ =	sdelay $0x2  }
0x91: {  	s15 =	simm.s32 $0xA;
	s4 =	simm.s32 $0x10  }
0x92: {  	[smem:s4], [sflag:s15] =	dma.local [hbm:s2], $0x1  }
0x93: {  	_ =	swait.eq [sflag:s15], $0x1  }
0x94: {  	[sflag:s15] =	ssyncset.done $0x0  }
0x95: {  	[sflag:s15] =	ssyncadd.s32 $0xFFFFFFFF  }
0x96: {  	s16 =	sld [smem:$0x10];
	(tm) =	ssettm $0x1  }
0x97: {  	s17 =	sld [smem:$0x3FFB];
	_ =	sdelay $0x3  }
0x98: {  	_ =	strace s17  }
0x99: {  	s3 =	sld [smem:$0x3FFC];
	_ =	sdelay $0x3  }
0x9a: {  	_ =	strace s3  }
0x9b: {  	s3 =	sld [smem:$0x3FFD];
	_ =	sdelay $0x3  }
0x9c: {  	_ =	strace s3  }
0x9d: {  	_ =	strace $0x8FFFFFFF  }
0x9e: {  	s18 =	sld [smem:$0x3FDB];
	_ =	sdelay $0x1  }
0x9f: {  	s19 =	simm.s32 $_scs_section_size  }
0xa0: {  	s5 =	simm.s32 $_size__tile_overlayer_lowered;
	s6 =	simm.s32 $_tile_overlayer_lowered  }
0xa1: {  	s22 =	simm.s32 $0x1BFF;
	s21 =	sshll.u32 s6, $0x1;
	s3 =	sadd.s32 s19, s18  }
0xa2: {  	s7 =	simm.s32 $0x0;
	s20 =	sshll.u32 s5, $0x1;
	s5 =	sadd.s32 s21, s3  }
0xa3: {  	[timem:s7], [sflag:s22] =	dma.local [hbm:s5], s20  }
0xa4: {  	_ =	swait.ge [sflag:s22], s20  }
0xa5: {  	s4 =	ssub.s32 $0x0, s20;
	[sflag:s22] =	ssyncset.done $0x0  }
0xa6: {  	[sflag:s22] =	ssyncadd.s32 s4;
	_ =	sdelay $0x1  }
0xa7: {  	s23 =	simm.s32 $0x1B8B  }
0xa8: {  	_ =	swait.ge [sflag:s23], $0x1  }
0xa9: {  	[sflag:s23] =	ssyncset.done $0x0  }
0xaa: {  	s25 =	simm.s32 $0x1B8E;
	s24 =	sld [smem:$0x3FFE];
	[sflag:s23] =	ssyncadd.s32 $0xFFFFFFFF  }
0xab: {  	s26 =	simm.s32 $execute0_lowered;
	[smem:$0x3FD2] =	sst s25  }
0xac: {  	s5 =	sshll.u32 s26, $0x1;
	_ =	strace $0x80000049;
	[dreg:$0x1] =	wrdreg $0xFFFFFFFF  }
0xad: {  	s28 =	simm.s32 $_size_execute0_lowered;
	s3 =	sadd.s32 s3, s5;
	[dreg:$0x0] =	wrdreg $0x0  }
0xae: {  	s5 =	sshll.u32 s28, $0x1;
	[dreg:$0x2] =	wrdreg s3  }
0xaf: {  	[dreg:$0x3] =	wrdreg s5  }
0xb0: {  	[dreg:$0x4] =	wrdreg $0xC0  }
0xb1: {  	_ =	task [dreg:s7], $0x5FFFF  }
0xb2: {  	[dreg:$0x1] =	wrdreg $0xFFFFFFFF  }
0xb3: {  	[dreg:$0x0] =	wrdreg $0x60  }
0xb4: {  	[dreg:$0x2] =	wrdreg s24  }
0xb5: {  	[dreg:$0x3] =	wrdreg s16  }
0xb6: {  	[dreg:$0x4] =	wrdreg $0x50000  }
0xb7: {  	[dreg:$0x5] =	wrdreg $0x0  }
0xb8: {  	[dreg:$0x6] =	wrdreg $0x9  }
0xb9: {  	_ =	task.clear_ibuf [dreg:s7], $0x7FFFF;
	_ =	strace $0x90000049  }
0xba: {  	s29 =	simm.s32 $0x9;
	_ =	strace $0x8000004B  }
0xbb: {  	_ =	swait.ge [sflag:s29], $0x1  }
0xbc: {  	[sflag:s29] =	ssyncadd.s32 $0xFFFFFFFF  }
0xbd: {  	_ =	strace $0x9000004B  }
0xbe: {  	_ =	sfence  }
0xbf: {  	s30 =	sld [smem:$0x0];
	_ =	sdelay $0x2  }
0xc0: {  	s31 =	sshll.u32 s1, $0xD;
	s1 =	sshrl.u32 s1, $0x2  }
0xc1: {  	s3 =	sand.u32 $0x4000, s31;
	s1 =	sadd.s32 s1, s30  }
0xc2: {  	s0 =	sor.u32 s3, s0;
	s1 =	sshll.u32 s1, $0x11  }
0xc3: {  	s0 =	sor.u32 s1, s0  }
0xc4: {  	s0 =	sadd.s32 $0x8F2B, s0  }
0xc5: {  	[sflag:s0] =	ssyncadd.remote.s32 $0x1  }
0xc6: {  	_ =	sfence.sel $0xFFFF  }
0xc7: {  	[dreg:$0x0] =	wrdreg $0xFFFFFFFF;
	(pc) =	sbr.abs _section_cstart, $3  }
0xc8: {  	[dreg:$0x1] =	wrdreg $0xFFFFFFFF  }
0xc9: {  	_ =	task.clear_ibuf [dreg:s7], $0x2FFFF;
	_ =	strace $0x9FFFFFFF  }
0xca: {  	(tm) =	ssettm $0x7FFFFFFF  }
0xcb: {  	_ =	shalt  }
tec
execute0_lowered:
.L_overlay_start_1:
0x0: {  	(tag) =	ssettag $0x1  }
0x1: {  	s0 =	rddreg [dreg:$0x0]  }
0x2: {  	s3 =	rddreg [dreg:$0x1]  }
0x3: {  	s1 =	rddreg [dreg:$0x2]  }
0x4: {  	s2 =	rddreg [dreg:$0x3]  }
0x5: {  	s4 =	srdreg.scid;
	s14 =	stileid.u32;
	s22 =	simm.s32 $0x2  }
0x6: {  	s28 =	simm.s32 $0x80;
	s29 =	simm.s32 $0x5380;
	s7 =	smul.u32 $0x280, s14  }
0x7: {  	s30 =	simm.s32 $0x1;
	s31 =	simm.s32 $0x0;
	s10 =	smul.u32 $0x5000, s14  }
0x8: {  	s5 =	sand.u32 $0x1, s4;
	s4 =	simm.s32 $0x0;
	s25 =	smul.u32 $0x14000, s14  }
0x9: {  	s26 =	sshll.u32 s14, $0x6;
	s6 =	smul.u32 $0x9D00, s5;
	[smem:$0x7FF] =	sst s4  }
0xa: {  	s8 =	ssub.s32 $0x2, s5;
	s9 =	smul.u32 $0x50000, s5;
	_ =	strace $0x8000004A  }
0xb: {  	s23 =	sshrl.u32 s7, $0x3;
	s24 =	sshrl.u32 s8, $0x1;
	s21 =	sadd.s32 s7, s1  }
0xc: {  	s7 =	sshrl.u32 s25, $0x2;
	s19 =	sadd.s32 s6, s0;
	s0 =	sadd.s32 s23, s0  }
0xd: {  	s11 =	ssub.s32 s8, s24;
	s5 =	sadd.s32 s10, s9;
	s6 =	sor.u32 $0x1C02, s26  }
0xe: {  	s7 =	sadd.s32 s7, s2;
	s9 =	sadd.s32 s10, s2;
	s26 =	smul.u32 $0x9D0, s14  }
0xf: {  	s21 =	sshrl.u32 s21, $0x3;
	s23 =	simm.s32 $0x5400;
	s24 =	simm.s32 $0x5280  }
0x10: {  	s0 =	sadd.s32 $0x3EA00, s0;
	s8 =	sshrl.u32 s5, $0x3;
	s25 =	smax.u32 s11, $0x1  }
0x11: {  	s10 =	sadd.s32 $0x800, s7;
	s11 =	sadd.s32 $0x1000, s7;
	s12 =	sadd.s32 $0x1800, s7  }
0x12: {  	s13 =	sadd.s32 $0x2000, s7;
	s14 =	sadd.s32 $0x2800, s7;
	s15 =	sadd.s32 $0x3000, s7  }
0x13: {  	s16 =	sadd.s32 $0x3800, s7;
	s17 =	sadd.s32 $0x4000, s7;
	[dreg:$0x5] =	wrdreg s0  }
0x14: {  	s18 =	sadd.s32 $0x4800, s7;
	s8 =	sadd.s32 s3, s8;
	[dreg:$0x7] =	wrdreg s25  }
0x15: {  	s3 =	sadd.s32 s26, s19;
	s25 =	sshrl.u32 s9, $0x3;
	s26 =	simm.s32 $0x5300  }
0x16: {  	v0 =	vimm.f32 $0.0e+00;
	[dreg:$0x6] =	wrdreg s8;
	s19 =	sadd.s32 $0x2B000, s3;
	s20 =	sadd.s32 $0x3C00, s3  }
.LBB2_1:
0x17: {  	s0 =	rddreg [dreg:$0x5]  }
0x18: {  	[spmem:s21], [sflag:s6] =	dma.local [hbm:s0], $0x50  }
0x19: {  	_ =	swait.ge [sflag:s22], $0x50  }
0x1a: {  	[sflag:s22] =	ssyncset.done $0x0  }
0x1b: {  	s3 =	simm.s32 $0x0;
	s0 =	simm.s32 $0x40;
	[sflag:s22] =	ssyncadd.s32 $0xFFFFFFB0  }
.LBB2_2:
0x1c: {  	p0 =	sne.s32 s0, $0x1FC0;
	[tilespmem:s3+$0x5400] =	vst v0;
	s3 =	smov.u32 s0;
	s0 =	sadd.s32 $0x40, s0  }
.Ltmp0:
0x1d: {  	(pc) =	sbr.rel @p0 .LBB2_2-.Ltmp0, $2  }
0x1e: {  	_ =	sdelay $0x2  }
0x1f: {  	s3 =	sshra.s32 s3, $0x2  }
0x20: {  	[tilespmem:s3+$0x5400] =	vst v0  }
0x21: {  	[spmem:s7] =	stream.linear.scatter [tilespmem:s23], [sflag:$0x2], $0x800, $0x38;
	[tilespmem:$0x5C00] =	vst v63  }
0x22: {  	_ =	swait.ge [sflag:s22], $0x800  }
0x23: {  	[sflag:s22] =	ssyncset.done $0x0  }
0x24: {  	[sflag:s22] =	ssyncadd.s32 $0xFFFFF800  }
0x25: {  	[spmem:s10] =	stream.linear.scatter [tilespmem:s23], [sflag:$0x2], $0x800, $0x38;
	[tilespmem:$0x5C00] =	vst v63  }
0x26: {  	_ =	swait.ge [sflag:s22], $0x800  }
0x27: {  	[sflag:s22] =	ssyncset.done $0x0  }
0x28: {  	[sflag:s22] =	ssyncadd.s32 $0xFFFFF800  }
0x29: {  	[spmem:s11] =	stream.linear.scatter [tilespmem:s23], [sflag:$0x2], $0x800, $0x38;
	[tilespmem:$0x5C00] =	vst v63  }
0x2a: {  	_ =	swait.ge [sflag:s22], $0x800  }
0x2b: {  	[sflag:s22] =	ssyncset.done $0x0  }
0x2c: {  	[sflag:s22] =	ssyncadd.s32 $0xFFFFF800  }
0x2d: {  	[spmem:s12] =	stream.linear.scatter [tilespmem:s23], [sflag:$0x2], $0x800, $0x38;
	[tilespmem:$0x5C00] =	vst v63  }
0x2e: {  	_ =	swait.ge [sflag:s22], $0x800  }
0x2f: {  	[sflag:s22] =	ssyncset.done $0x0  }
0x30: {  	[sflag:s22] =	ssyncadd.s32 $0xFFFFF800  }
0x31: {  	[spmem:s13] =	stream.linear.scatter [tilespmem:s23], [sflag:$0x2], $0x800, $0x38;
	[tilespmem:$0x5C00] =	vst v63  }
0x32: {  	_ =	swait.ge [sflag:s22], $0x800  }
0x33: {  	[sflag:s22] =	ssyncset.done $0x0  }
0x34: {  	[sflag:s22] =	ssyncadd.s32 $0xFFFFF800  }
0x35: {  	[spmem:s14] =	stream.linear.scatter [tilespmem:s23], [sflag:$0x2], $0x800, $0x38;
	[tilespmem:$0x5C00] =	vst v63  }
0x36: {  	_ =	swait.ge [sflag:s22], $0x800  }
0x37: {  	[sflag:s22] =	ssyncset.done $0x0  }
0x38: {  	[sflag:s22] =	ssyncadd.s32 $0xFFFFF800  }
0x39: {  	[spmem:s15] =	stream.linear.scatter [tilespmem:s23], [sflag:$0x2], $0x800, $0x38;
	[tilespmem:$0x5C00] =	vst v63  }
0x3a: {  	_ =	swait.ge [sflag:s22], $0x800  }
0x3b: {  	[sflag:s22] =	ssyncset.done $0x0  }
0x3c: {  	[sflag:s22] =	ssyncadd.s32 $0xFFFFF800  }
0x3d: {  	[spmem:s16] =	stream.linear.scatter [tilespmem:s23], [sflag:$0x2], $0x800, $0x38;
	[tilespmem:$0x5C00] =	vst v63  }
0x3e: {  	_ =	swait.ge [sflag:s22], $0x800  }
0x3f: {  	[sflag:s22] =	ssyncset.done $0x0  }
0x40: {  	[sflag:s22] =	ssyncadd.s32 $0xFFFFF800  }
0x41: {  	[spmem:s17] =	stream.linear.scatter [tilespmem:s23], [sflag:$0x2], $0x800, $0x38;
	[tilespmem:$0x5C00] =	vst v63  }
0x42: {  	_ =	swait.ge [sflag:s22], $0x800  }
0x43: {  	[sflag:s22] =	ssyncset.done $0x0  }
0x44: {  	[sflag:s22] =	ssyncadd.s32 $0xFFFFF800  }
0x45: {  	[spmem:s18] =	stream.linear.scatter [tilespmem:s23], [sflag:$0x2], $0x800, $0x38;
	[tilespmem:$0x5C00] =	vst v63  }
0x46: {  	_ =	swait.ge [sflag:s22], $0x800  }
0x47: {  	[sflag:s22] =	ssyncset.done $0x0  }
0x48: {  	[sflag:s22] =	ssyncadd.s32 $0xFFFFF800  }
0x49: {  	s0 =	sadd.s32 $0x0, s20;
	[bflag:$0x0] =	sbarrier.arrive $0xFFFF  }
0x4a: {  	[tilespmem:s24], [sflag:$0x2] =	stream.linear.gather [hbm4b:s0+s4], $0x80, $0x38;
	[tilespmem:$0x5C00] =	vst v63  }
0x4b: {  	_ =	swait.ge [sflag:s22], $0x80  }
0x4c: {  	[sflag:s22] =	ssyncset.done $0x0  }
0x4d: {  	s9 =	sadd.s32 $0x0, s19;
	[sflag:s22] =	ssyncadd.s32 $0xFFFFFF80  }
0x4e: {  	[tilespmem:s26], [sflag:$0x2] =	stream.linear.gather [hbm4b:s9+s4], $0x80, $0x38;
	[tilespmem:$0x5C00] =	vst v63  }
0x4f: {  	_ =	swait.ge [sflag:s22], $0x80  }
0x50: {  	[sflag:s22] =	ssyncset.done $0x0  }
0x51: {  	[sflag:s22] =	ssyncadd.s32 $0xFFFFFF80  }
0x52: {  	[tilespmem:s29], [sflag:$0x1] =	stream.indirect.gather [spmem:s1], $0x1, s24, s28, $0xb8;
	[tilespmem:$0x5C00] =	vst v63  }
0x53: {  	_ =	swait.ge [sflag:s30], $0x80  }
0x54: {  	[sflag:s30] =	ssyncset.done $0x0  }
0x55: {  	[sflag:s30] =	ssyncadd.s32 $0xFFFFFF80  }
0x56: {  	[spmem:s2] =	stream.indirect.scatter.add.f32 [tilespmem:s29], [sflag:$0x2], $0x1, s26, s28, $0xb8;
	[tilespmem:$0x5C00] =	vst v63  }
0x57: {  	_ =	swait.ge [sflag:s22], $0x80  }
0x58: {  	s3 =	simm.s32 $0x20;
	s0 =	simm.s32 $0x10;
	[sflag:s22] =	ssyncset.done $0x0  }
.LBB2_4:
0x59: {  	s5 =	sadd.s32 s0, s20  }
0x5a: {  	[sflag:s22] =	ssyncadd.s32 $0xFFFFFF80;
	s8 =	smov.u32 s3;
	s9 =	sadd.s32 $0x10, s3  }
0x5b: {  	[tilespmem:s24], [sflag:$0x2] =	stream.linear.gather [hbm4b:s5+s4], $0x80, $0x38;
	[tilespmem:$0x5C00] =	vst v63  }
0x5c: {  	p0 =	sne.s32 s3, $0x9C0;
	_ =	swait.ge [sflag:s22], $0x80  }
0x5d: {  	[sflag:s22] =	ssyncset.done $0x0  }
0x5e: {  	s3 =	sadd.s32 s0, s19;
	s0 =	smov.u32 s8;
	[sflag:s22] =	ssyncadd.s32 $0xFFFFFF80  }
0x5f: {  	[tilespmem:s26], [sflag:$0x2] =	stream.linear.gather [hbm4b:s3+s4], $0x80, $0x38;
	[tilespmem:$0x5C00] =	vst v63  }
0x60: {  	_ =	swait.ge [sflag:s22], $0x80  }
0x61: {  	[sflag:s22] =	ssyncset.done $0x0  }
0x62: {  	[sflag:s22] =	ssyncadd.s32 $0xFFFFFF80  }
0x63: {  	[tilespmem:s29], [sflag:$0x1] =	stream.indirect.gather [spmem:s1], $0x1, s24, s28, $0xb8;
	[tilespmem:$0x5C00] =	vst v63  }
0x64: {  	_ =	swait.ge [sflag:s30], $0x80  }
.Ltmp1:
0x65: {  	[sflag:s30] =	ssyncset.done $0x0;
	(pc) =	sbr.rel @p0 .LBB2_4-.Ltmp1, $4  }
0x66: {  	[sflag:s30] =	ssyncadd.s32 $0xFFFFFF80  }
0x67: {  	[spmem:s2] =	stream.indirect.scatter.add.f32 [tilespmem:s29], [sflag:$0x2], $0x1, s26, s28, $0xb8;
	[tilespmem:$0x5C00] =	vst v63  }
0x68: {  	_ =	swait.ge [sflag:s22], $0x80  }
0x69: {  	s3 =	smov.u32 s9;
	[sflag:s22] =	ssyncset.done $0x0  }
0x6a: {  	s3 =	sadd.s32 s0, s20;
	[sflag:s22] =	ssyncadd.s32 $0xFFFFFF80  }
0x6b: {  	[tilespmem:s24], [sflag:$0x2] =	stream.linear.gather [hbm4b:s3+s4], $0x80, $0x38;
	[tilespmem:$0x5C00] =	vst v63  }
0x6c: {  	_ =	swait.ge [sflag:s22], $0x80  }
0x6d: {  	[sflag:s22] =	ssyncset.done $0x0  }
0x6e: {  	s5 =	sadd.s32 s0, s19;
	[sflag:s22] =	ssyncadd.s32 $0xFFFFFF80  }
0x6f: {  	[tilespmem:s26], [sflag:$0x2] =	stream.linear.gather [hbm4b:s5+s4], $0x80, $0x38;
	[tilespmem:$0x5C00] =	vst v63  }
0x70: {  	_ =	swait.ge [sflag:s22], $0x80  }
0x71: {  	[sflag:s22] =	ssyncset.done $0x0  }
0x72: {  	[sflag:s22] =	ssyncadd.s32 $0xFFFFFF80  }
0x73: {  	[tilespmem:s29], [sflag:$0x1] =	stream.indirect.gather [spmem:s1], $0x1, s24, s28, $0xb8;
	[tilespmem:$0x5C00] =	vst v63  }
0x74: {  	_ =	swait.ge [sflag:s30], $0x80  }
0x75: {  	[sflag:s30] =	ssyncset.done $0x0  }
0x76: {  	[sflag:s30] =	ssyncadd.s32 $0xFFFFFF80  }
0x77: {  	[spmem:s2] =	stream.indirect.scatter.add.f32 [tilespmem:s29], [sflag:$0x2], $0x1, s26, s28, $0xb8;
	[tilespmem:$0x5C00] =	vst v63  }
0x78: {  	_ =	swait.ge [sflag:s22], $0x80  }
0x79: {  	[sflag:s22] =	ssyncset.done $0x0  }
0x7a: {  	[sflag:s22] =	ssyncadd.s32 $0xFFFFFF80  }
0x7b: {  	[bflag:$0x0] =	sbarrier.arrive $0xFFFF  }
0x7c: {  	s8 =	rddreg [dreg:$0x6]  }
0x7d: {  	[hbm:s8], [sflag:s6] =	dma.local [spmem:s25], $0xA00  }
0x7e: {  	_ =	swait.ge [sflag:s22], $0xA00  }
0x7f: {  	s31 =	sadd.s32 $0x1, s31;
	s9 =	rddreg [dreg:$0x7]  }
0x80: {  	p0 =	sne.s32 s31, s9  }
.Ltmp2:
0x81: {  	_ = 	snop;
	(pc) =	sbr.rel @p0 .LBB2_1-.Ltmp2, $3  }
0x82: {  	_ =	sdelay $0x1  }
0x83: {  	[sflag:s22] =	ssyncset.done $0x0  }
0x84: {  	[sflag:s22] =	ssyncadd.s32 $0xFFFFF600  }
0x85: {  	_ =	sfence.sel $0x180000  }
0x86: {  	[bflag:$0x0] =	sbarrier.arrive $0xFFFF  }
0x87: {  	_ =	strace $0x9000004A  }
0x88: {  	s0 =	stileid.u32;
	[bflag:$0x2] =	sbarrier.arrive $0xFFFF  }
0x89: {  	p0 =	sne.s32 s0, $0x0;
	s0 =	rddreg [dreg:$0x4]  }
0x8a: {  	s0 =	sadd.s32 @!p0 $0x100000, s0  }
0x8b: {  	[sflag:s0] =	ssyncadd.tile.s32 @!p0 $0x1;
	_ =	shalt  }
.Lfunc_end2:
_tile_overlayer_lowered:
.L_overlay_start_2:
0x8c: {  	(tag) =	ssettag $0x2  }
0x8d: {  	s0 =	rddreg [dreg:$0x0];
	s2 =	stileid.u32  }
0x8e: {  	s1 =	rddreg [dreg:$0x1];
	p0 =	sne.s32 s2, $0x0  }
0x8f: {  	s3 =	rddreg [dreg:$0x2];
	[bflag:$0x3] =	sbarrier.arrive $0xFFFF;
	s2 =	simm.s32 @!p0 $0x1C02  }
0x90: {  	[timem:s3], [sflag:s2] =	dma.local @!p0 [hbm:s0], s1  }
0x91: {  	s0 =	simm.s32 @!p0 $0x2  }
0x92: {  	_ =	swait.ge @!p0 [sflag:s0], s1  }
0x93: {  	s1 =	ssub.s32 @!p0 $0x0, s1;
	[sflag:s0] =	ssyncset.done @!p0 $0x0  }
0x94: {  	[sflag:s0] =	ssyncadd.s32 @!p0 s1  }
0x95: {  	[bflag:$0x3] =	sbarrier.arrive $0xFFFF  }
0x96: {  	_ =	shalt  }

// kernel: kernel.17.cloned.1.call-start
scs
__scs_entry_jumppad:
0x0: {  	(pc) =	sbr.rel $0x88, $3  }
0x1: {  	(tag) =	ssettag $0x0;
	lr =	simm.s32 $0x1  }
0x2: {  	[smem:$0x3F97] =	sst lr;
	_ =	strace $0xD0000000  }
0x3: {  	_ = 	snop  }
0x4: {  	_ = 	snop  }
0x5: {  	_ = 	snop  }
0x6: {  	_ = 	snop  }
0x7: {  	_ = 	snop  }
__scs_overlays_trampoline_lowered:
0x8: {  	[smem:$0x3FA6] =	sst s0  }
0x9: {  	[smem:$0x3FA7] =	sst s1  }
0xa: {  	[smem:$0x3FA8] =	sst s2  }
0xb: {  	[smem:$0x3FA9] =	sst s3  }
0xc: {  	[smem:$0x3FAA] =	sst s4  }
0xd: {  	[smem:$0x3FAB] =	sst s5  }
0xe: {  	[smem:$0x3FAC] =	sst s6  }
0xf: {  	[smem:$0x3FAD] =	sst s7  }
0x10: {  	[smem:$0x3FAE] =	sst s8  }
0x11: {  	[smem:$0x3FAF] =	sst s9;
	s0 =	simm.s32 @!p0 $0x0  }
0x12: {  	s1 =	sld [smem:$0x3F95];
	s0 =	simm.s32 @p0 $0x1  }
0x13: {  	[smem:$0x3FB0] =	sst s0;
	s0 =	simm.s32 @!p1 $0x0  }
0x14: {  	s2 =	sld [smem:$0x3F94];
	s0 =	simm.s32 @p1 $0x1  }
0x15: {  	[smem:$0x3FB1] =	sst s0;
	s0 =	simm.s32 @!p2 $0x0  }
0x16: {  	s3 =	sld [smem:$0x3FDB];
	s0 =	simm.s32 @p2 $0x1  }
0x17: {  	s4 =	simm.s32 $0x1BF5;
	[smem:$0x3FB3] =	sst s0  }
0x18: {  	s0 =	sld [smem:$0x3F96];
	_ =	swait.ge [sflag:s4], $0x0  }
0x19: {  	s7 =	sld [smem:$0x3F97]  }
0x1a: {  	s8 =	sadd.s32 $0xFFFFE003, lr  }
0x1b: {  	s9 =	sadd.s32 $0xFFFFFEF7, lr;
	s5 =	simm.s32 $0xFFFFFFFF;
	p2 =	slt.u32 s8, $0xFFFFF086  }
0x1c: {  	p1 =	slt.u32 s9, $0xF7A;
	s5 =	simm.s32 @!p2 $0x0  }
0x1d: {  	s5 =	simm.s32 @p1 $0x1;
	p0 =	seq.s32 s7, s2  }
0x1e: {  	s7 =	smul.u32 @!p0 $0xF7A, s2;
	p2 =	seq.s32 @!p0 s5, $0x0  }
0x1f: {  	s9 =	smul.u32 $0xF7A, s1;
	s8 =	simm.s32 @!p0 $0x1BF5;
	p2 =	por !p2, p0  }
0x20: {  	[sflag:s8] =	ssyncset.s32 @!p0 $0xFFFFF086;
	s6 =	sadd.s32 @!p0 s3, s7;
	s7 =	simm.s32 @!p0 $0x108  }
0x21: {  	s3 =	sadd.s32 s3, s9;
	s6 =	sadd.s32 @!p0 $0x88, s6;
	s7 =	simm.s32 @p2 $0x1082  }
0x22: {  	[simem:s7], [sflag:s8] =	dma.local @!p0 [hbm:s6], $0xF7A  }
0x23: {  	s9 =	sor.u32 $0xD0000000, s2;
	s6 =	simm.s32 $0x108;
	_ =	swait.ge @!p0 [sflag:s8], $0x0  }
0x24: {  	s3 =	sadd.s32 $0x88, s3;
	s6 =	simm.s32 @!p1 $0x1082;
	[sflag:s4] =	ssyncset.s32 $0xFFFFF086  }
0x25: {  	[simem:s6], [sflag:s4] =	dma.local [hbm:s3], $0xF7A  }
0x26: {  	[smem:$0x3F97] =	sst s1;
	(tag) =	ssettag s2;
	_ =	strace s9  }
0x27: {  	s1 =	sld [smem:$0x3FA7]  }
0x28: {  	s2 =	sld [smem:$0x3FA8]  }
0x29: {  	s4 =	sld [smem:$0x3FAA]  }
0x2a: {  	p0 =	seq.s32 s5, $0x0;
	s5 =	sld [smem:$0x3FAB]  }
0x2b: {  	s6 =	sld [smem:$0x3FAC]  }
0x2c: {  	s7 =	sld [smem:$0x3FAD]  }
0x2d: {  	s3 =	simm.s32 $0x108;
	s8 =	sld [smem:$0x3FAE]  }
0x2e: {  	s3 =	simm.s32 @!p0 $0x1082;
	s9 =	sld [smem:$0x3FAF]  }
0x2f: {  	lr =	sadd.s32 s0, s3;
	s0 =	sld [smem:$0x3FA6]  }
0x30: {  	s3 =	sld [smem:$0x3FA9]  }
0x31: {  	[smem:$0x3FB2] =	sst s10  }
0x32: {  	s10 =	sld [smem:$0x3FB0];
	_ =	sdelay $0x3  }
0x33: {  	p0 =	seq.s32 s10, $0x1;
	s10 =	sld [smem:$0x3FB2];
	_ =	sdelay $0x3  }
0x34: {  	[smem:$0x3FB2] =	sst s10  }
0x35: {  	s10 =	sld [smem:$0x3FB1];
	_ =	sdelay $0x3  }
0x36: {  	p1 =	seq.s32 s10, $0x1;
	s10 =	sld [smem:$0x3FB2];
	_ =	sdelay $0x3  }
0x37: {  	[smem:$0x3FB2] =	sst s10  }
0x38: {  	s10 =	sld [smem:$0x3FB3]  }
0x39: {  	_ = 	snop;
	(pc) =	sbr.ind lr, $3  }
0x3a: {  	_ = 	snop  }
0x3b: {  	_ = 	snop  }
0x3c: {  	p2 =	seq.s32 s10, $0x1;
	s10 =	sld [smem:$0x3FB2]  }
0x3d: {  	_ =	shalt  }
0x3e: {  	_ =	shalt  }
0x3f: {  	_ =	shalt  }
0x40: {  	_ =	shalt  }
0x41: {  	_ =	shalt  }
0x42: {  	_ =	shalt  }
0x43: {  	_ =	shalt  }
0x44: {  	_ =	shalt  }
0x45: {  	_ =	shalt  }
0x46: {  	_ =	shalt  }
0x47: {  	_ =	shalt  }
0x48: {  	_ =	shalt  }
0x49: {  	_ =	shalt  }
0x4a: {  	_ =	shalt  }
0x4b: {  	_ =	shalt  }
0x4c: {  	_ =	shalt  }
0x4d: {  	_ =	shalt  }
0x4e: {  	_ =	shalt  }
0x4f: {  	_ =	shalt  }
0x50: {  	_ =	shalt  }
0x51: {  	_ =	shalt  }
0x52: {  	_ =	shalt  }
0x53: {  	_ =	shalt  }
0x54: {  	_ =	shalt  }
0x55: {  	_ =	shalt  }
0x56: {  	_ =	shalt  }
0x57: {  	_ =	shalt  }
0x58: {  	_ =	shalt  }
0x59: {  	_ =	shalt  }
0x5a: {  	_ =	shalt  }
0x5b: {  	_ =	shalt  }
0x5c: {  	_ =	shalt  }
0x5d: {  	_ =	shalt  }
0x5e: {  	_ =	shalt  }
0x5f: {  	_ =	shalt  }
0x60: {  	_ =	shalt  }
0x61: {  	_ =	shalt  }
0x62: {  	_ =	shalt  }
0x63: {  	_ =	shalt  }
0x64: {  	_ =	shalt  }
0x65: {  	_ =	shalt  }
0x66: {  	_ =	shalt  }
0x67: {  	_ =	shalt  }
0x68: {  	_ =	shalt  }
0x69: {  	_ =	shalt  }
0x6a: {  	_ =	shalt  }
0x6b: {  	_ =	shalt  }
0x6c: {  	_ =	shalt  }
0x6d: {  	_ =	shalt  }
0x6e: {  	_ =	shalt  }
0x6f: {  	_ =	shalt  }
0x70: {  	_ =	shalt  }
0x71: {  	_ =	shalt  }
0x72: {  	_ =	shalt  }
0x73: {  	_ =	shalt  }
0x74: {  	_ =	shalt  }
0x75: {  	_ =	shalt  }
0x76: {  	_ =	shalt  }
0x77: {  	_ =	shalt  }
0x78: {  	_ =	shalt  }
0x79: {  	_ =	shalt  }
0x7a: {  	_ =	shalt  }
0x7b: {  	_ =	shalt  }
0x7c: {  	_ =	shalt  }
0x7d: {  	_ =	shalt  }
0x7e: {  	_ =	shalt  }
0x7f: {  	_ =	shalt  }
0x80: {  	_ =	shalt  }
0x81: {  	_ =	shalt  }
0x82: {  	_ =	shalt  }
0x83: {  	_ =	shalt  }
0x84: {  	_ =	shalt  }
0x85: {  	_ =	shalt  }
0x86: {  	_ =	shalt  }
0x87: {  	_ =	shalt  }
.Lfunc_end0:
.L_simem_size_0:
called_computation.2_lowered:
.L_overlay_start_0:
0x88: {  	s2 =	sld [smem:$0x3FD9]  }
0x89: {  	s3 =	sld [smem:$0x3FFE];
	_ =	sdelay $0x1  }
0x8a: {  	s1 =	srdreg.scid  }
0x8b: {  	s0 =	sand.u32 $0x1, s1  }
0x8c: {  	s16 =	sshll.u32 s0, $0xA;
	s2 =	sadd.s32 s3, s2  }
0x8d: {  	s2 =	sadd.s32 s2, s16  }
0x8e: {  	[smem:$0x3FBE] =	sst s2  }
0x8f: {  	_ = 	snop  }
0x90: {  	(tm) =	ssettm $0x1  }
0x91: {  	s17 =	sld [smem:$0x3FFB];
	_ =	sdelay $0x3  }
0x92: {  	_ =	strace s17  }
0x93: {  	s2 =	sld [smem:$0x3FFC];
	_ =	sdelay $0x3  }
0x94: {  	_ =	strace s2  }
0x95: {  	s2 =	sld [smem:$0x3FFD];
	_ =	sdelay $0x3  }
0x96: {  	_ =	strace s2  }
0x97: {  	_ =	strace $0x8FFFFFFF  }
0x98: {  	s18 =	sld [smem:$0x3FDB];
	_ =	sdelay $0x1  }
0x99: {  	s19 =	simm.s32 $_scs_section_size  }
0x9a: {  	s4 =	simm.s32 $_size__tile_overlayer_lowered;
	s5 =	simm.s32 $_tile_overlayer_lowered  }
0x9b: {  	s22 =	simm.s32 $0x1BFF;
	s21 =	sshll.u32 s5, $0x1;
	s2 =	sadd.s32 s19, s18  }
0x9c: {  	s6 =	simm.s32 $0x0;
	s20 =	sshll.u32 s4, $0x1;
	s4 =	sadd.s32 s21, s2  }
0x9d: {  	[timem:s6], [sflag:s22] =	dma.local [hbm:s4], s20  }
0x9e: {  	_ =	swait.ge [sflag:s22], s20  }
0x9f: {  	s3 =	ssub.s32 $0x0, s20;
	[sflag:s22] =	ssyncset.done $0x0  }
0xa0: {  	[sflag:s22] =	ssyncadd.s32 s3;
	_ =	sdelay $0x1  }
0xa1: {  	s23 =	simm.s32 $0x1B8B  }
0xa2: {  	_ =	swait.ge [sflag:s23], $0x1  }
0xa3: {  	[sflag:s23] =	ssyncset.done $0x0  }
0xa4: {  	s25 =	simm.s32 $0x1B8E;
	s24 =	sld [smem:$0x3FFE];
	[sflag:s23] =	ssyncadd.s32 $0xFFFFFFFF  }
0xa5: {  	s26 =	simm.s32 $execute0_lowered;
	[smem:$0x3FD2] =	sst s25  }
0xa6: {  	s4 =	sshll.u32 s26, $0x1;
	_ =	strace $0x8000004C;
	[dreg:$0x1] =	wrdreg $0xFFFFFFFF  }
0xa7: {  	s28 =	simm.s32 $_size_execute0_lowered;
	s2 =	sadd.s32 s2, s4;
	[dreg:$0x0] =	wrdreg $0x0  }
0xa8: {  	s4 =	sshll.u32 s28, $0x1;
	[dreg:$0x2] =	wrdreg s2  }
0xa9: {  	[dreg:$0x3] =	wrdreg s4  }
0xaa: {  	[dreg:$0x4] =	wrdreg $0xC0  }
0xab: {  	_ =	task [dreg:s6], $0x5FFFF  }
0xac: {  	[dreg:$0x1] =	wrdreg $0xFFFFFFFF  }
0xad: {  	[dreg:$0x0] =	wrdreg $0x60  }
0xae: {  	[dreg:$0x2] =	wrdreg s24  }
0xaf: {  	[dreg:$0x3] =	wrdreg $0x0  }
0xb0: {  	[dreg:$0x4] =	wrdreg $0x9  }
0xb1: {  	_ =	task.clear_ibuf [dreg:s6], $0x5FFFF;
	_ =	strace $0x9000004C  }
0xb2: {  	s29 =	simm.s32 $0x9;
	_ =	strace $0x8000004E  }
0xb3: {  	_ =	swait.ge [sflag:s29], $0x1  }
0xb4: {  	[sflag:s29] =	ssyncadd.s32 $0xFFFFFFFF  }
0xb5: {  	_ =	strace $0x9000004E  }
0xb6: {  	_ =	sfence  }
0xb7: {  	s30 =	sld [smem:$0x0];
	_ =	sdelay $0x2  }
0xb8: {  	s31 =	sshll.u32 s1, $0xD;
	s1 =	sshrl.u32 s1, $0x2  }
0xb9: {  	s3 =	sand.u32 $0x4000, s31;
	s1 =	sadd.s32 s1, s30  }
0xba: {  	s0 =	sor.u32 s3, s0;
	s1 =	sshll.u32 s1, $0x11  }
0xbb: {  	s0 =	sor.u32 s1, s0  }
0xbc: {  	s0 =	sadd.s32 $0x8F2B, s0  }
0xbd: {  	[sflag:s0] =	ssyncadd.remote.s32 $0x1  }
0xbe: {  	_ =	sfence.sel $0xFFFF  }
0xbf: {  	[dreg:$0x0] =	wrdreg $0xFFFFFFFF;
	(pc) =	sbr.abs _section_cstart, $3  }
0xc0: {  	[dreg:$0x1] =	wrdreg $0xFFFFFFFF  }
0xc1: {  	_ =	task.clear_ibuf [dreg:s6], $0x2FFFF;
	_ =	strace $0x9FFFFFFF  }
0xc2: {  	(tm) =	ssettm $0x7FFFFFFF  }
0xc3: {  	_ =	shalt  }
tec
execute0_lowered:
.L_overlay_start_1:
0x0: {  	(tag) =	ssettag $0x1  }
0x1: {  	s5 =	rddreg [dreg:$0x0];
	s0 =	srdreg.scid  }
0x2: {  	s2 =	rddreg [dreg:$0x1];
	s31 =	stileid.u32;
	s3 =	simm.s32 $0x0  }
0x3: {  	s28 =	simm.s32 $0x1;
	s29 =	simm.s32 $0x0;
	s8 =	smul.u32 $0x50000, s31  }
0x4: {  	s6 =	sand.u32 $0x1, s0;
	[smem:$0x7FF] =	sst s3;
	s14 =	smul.u32 $0x280, s31  }
0x5: {  	s4 =	sadd.s32 $0xA2A00, s5;
	s17 =	sadd.s32 $0xF2A00, s5;
	s7 =	smul.u32 $0x9D00, s6  }
0x6: {  	_ =	strace $0x8000004D;
	s15 =	smul.u32 $0x2800, s6;
	s21 =	ssub.s32 $0x2, s6  }
0x7: {  	s6 =	sshrl.u32 s21, $0x1;
	s22 =	sshrl.u32 s8, $0x2;
	s12 =	sadd.s32 $0x80, s14  }
0x8: {  	s25 =	sadd.s32 $0x100, s14;
	s26 =	sadd.s32 $0x180, s14;
	s20 =	sadd.s32 $0x200, s14  }
0x9: {  	s16 =	sadd.s32 s7, s5;
	s23 =	sadd.s32 s15, s14;
	s9 =	ssub.s32 s21, s6  }
0xa: {  	s5 =	sadd.s32 s22, s2;
	s13 =	sshll.u32 s12, $0x7;
	s12 =	sadd.s32 s15, s12  }
0xb: {  	s18 =	sshll.u32 s25, $0x7;
	s19 =	sshll.u32 s26, $0x7;
	s21 =	smul.u32 $0x9D0, s31  }
0xc: {  	s30 =	sshll.u32 s20, $0x7;
	s24 =	sshll.u32 s23, $0x4;
	s7 =	smax.u32 s9, $0x1  }
0xd: {  	s8 =	sadd.s32 $0x4000, s5;
	s9 =	sadd.s32 $0x8000, s5;
	s10 =	sadd.s32 $0xC000, s5  }
0xe: {  	s11 =	sadd.s32 $0x10000, s5;
	s22 =	sadd.s32 s13, s2;
	s12 =	sshll.u32 s12, $0x4  }
0xf: {  	s13 =	sadd.s32 s15, s25;
	s23 =	sadd.s32 s18, s2;
	s18 =	sadd.s32 s15, s26  }
0x10: {  	s15 =	sadd.s32 s15, s20;
	s25 =	sadd.s32 s30, s2;
	s20 =	simm.s32 $0x14000  }
0x11: {  	s26 =	simm.s32 $0x80;
	s1 =	sadd.s32 s17, s24;
	s12 =	sadd.s32 s17, s12  }
0x12: {  	s13 =	sshll.u32 s13, $0x4;
	s18 =	sshll.u32 s18, $0x4;
	s24 =	sadd.s32 s19, s2  }
0x13: {  	s15 =	sshll.u32 s15, $0x4;
	s31 =	sadd.s32 s21, s16;
	s19 =	simm.s32 $0x2  }
0x14: {  	s21 =	simm.s32 $0x14080;
	s22 =	sshrl.u32 s22, $0x3;
	s23 =	sshrl.u32 s23, $0x3  }
0x15: {  	s25 =	sshrl.u32 s25, $0x3;
	[dreg:$0x3] =	wrdreg s1;
	s13 =	sadd.s32 s17, s13  }
0x16: {  	s14 =	sadd.s32 s17, s18;
	s15 =	sadd.s32 s17, s15;
	s16 =	sadd.s32 $0x17600, s31  }
0x17: {  	v0 =	vimm.f32 $0.0e+00;
	s17 =	sadd.s32 $0x3F000, s31;
	s18 =	simm.s32 $0x14100;
	s24 =	sshrl.u32 s24, $0x3  }
.LBB2_1:
0x18: {  	s30 =	simm.s32 $0x0;
	s31 =	simm.s32 $0x200  }
.LBB2_2:
0x19: {  	p0 =	sne.s32 s31, $0xFE00;
	[tilespmem:s30+$0x14170] =	vst v0  }
0x1a: {  	[tilespmem:s30+$0x14100] =	vst v0  }
0x1b: {  	[tilespmem:s30+$0x14110] =	vst v0  }
.Ltmp0:
0x1c: {  	[tilespmem:s30+$0x14120] =	vst v0;
	(pc) =	sbr.rel @p0 .LBB2_2-.Ltmp0, $4  }
0x1d: {  	[tilespmem:s30+$0x14130] =	vst v0  }
0x1e: {  	[tilespmem:s30+$0x14140] =	vst v0  }
0x1f: {  	[tilespmem:s30+$0x14150] =	vst v0  }
0x20: {  	[tilespmem:s30+$0x14160] =	vst v0;
	s30 =	sshra.s32 s31, $0x2;
	s31 =	sadd.s32 $0x200, s31  }
0x21: {  	[tilespmem:s30+$0x14170] =	vst v0  }
0x22: {  	[tilespmem:s30+$0x14100] =	vst v0  }
0x23: {  	[tilespmem:s30+$0x14110] =	vst v0  }
0x24: {  	[tilespmem:s30+$0x14120] =	vst v0  }
0x25: {  	[tilespmem:s30+$0x14130] =	vst v0  }
0x26: {  	[tilespmem:s30+$0x14140] =	vst v0  }
0x27: {  	[tilespmem:s30+$0x14150] =	vst v0  }
0x28: {  	[tilespmem:s30+$0x14160] =	vst v0  }
0x29: {  	[spmem:s5] =	stream.linear.scatter [tilespmem:s18], [sflag:$0x2], $0x4000, $0x38;
	[tilespmem:$0x18100] =	vst v63  }
0x2a: {  	_ =	swait.ge [sflag:s19], $0x4000  }
0x2b: {  	[sflag:s19] =	ssyncset.done $0x0  }
0x2c: {  	[sflag:s19] =	ssyncadd.s32 $0xFFFFC000  }
0x2d: {  	[spmem:s8] =	stream.linear.scatter [tilespmem:s18], [sflag:$0x2], $0x4000, $0x38;
	[tilespmem:$0x18100] =	vst v63  }
0x2e: {  	_ =	swait.ge [sflag:s19], $0x4000  }
0x2f: {  	[sflag:s19] =	ssyncset.done $0x0  }
0x30: {  	[sflag:s19] =	ssyncadd.s32 $0xFFFFC000  }
0x31: {  	[spmem:s9] =	stream.linear.scatter [tilespmem:s18], [sflag:$0x2], $0x4000, $0x38;
	[tilespmem:$0x18100] =	vst v63  }
0x32: {  	_ =	swait.ge [sflag:s19], $0x4000  }
0x33: {  	[sflag:s19] =	ssyncset.done $0x0  }
0x34: {  	[sflag:s19] =	ssyncadd.s32 $0xFFFFC000  }
0x35: {  	[spmem:s10] =	stream.linear.scatter [tilespmem:s18], [sflag:$0x2], $0x4000, $0x38;
	[tilespmem:$0x18100] =	vst v63  }
0x36: {  	_ =	swait.ge [sflag:s19], $0x4000  }
0x37: {  	[sflag:s19] =	ssyncset.done $0x0  }
0x38: {  	[sflag:s19] =	ssyncadd.s32 $0xFFFFC000  }
0x39: {  	[spmem:s11] =	stream.linear.scatter [tilespmem:s18], [sflag:$0x2], $0x4000, $0x38;
	[tilespmem:$0x18100] =	vst v63  }
0x3a: {  	_ =	swait.ge [sflag:s19], $0x4000  }
0x3b: {  	[sflag:s19] =	ssyncset.done $0x0  }
0x3c: {  	[sflag:s19] =	ssyncadd.s32 $0xFFFFC000  }
0x3d: {  	s30 =	sadd.s32 $0x0, s17;
	[bflag:$0x0] =	sbarrier.arrive $0xFFFF  }
0x3e: {  	[tilespmem:s20], [sflag:$0x2] =	stream.linear.gather [hbm4b:s30+s3], $0x80, $0x38;
	[tilespmem:$0x18100] =	vst v63  }
0x3f: {  	_ =	swait.ge [sflag:s19], $0x80  }
0x40: {  	[sflag:s19] =	ssyncset.done $0x0  }
0x41: {  	s30 =	sadd.s32 $0x0, s16;
	[sflag:s19] =	ssyncadd.s32 $0xFFFFFF80  }
0x42: {  	[tilespmem:s21], [sflag:$0x2] =	stream.linear.gather [hbm4b:s30+s3], $0x80, $0x38;
	[tilespmem:$0x18100] =	vst v63  }
0x43: {  	_ =	swait.ge [sflag:s19], $0x80  }
0x44: {  	[sflag:s19] =	ssyncset.done $0x0  }
0x45: {  	[sflag:s19] =	ssyncadd.s32 $0xFFFFFF80  }
0x46: {  	[tilespmem:s18], [sflag:$0x1] =	stream.indirect.gather [hbm4b:s4+s26], $0x80, s20, s26, $0xb8;
	[tilespmem:$0x18100] =	vst v63  }
0x47: {  	_ =	swait.ge [sflag:s28], $0x4000  }
0x48: {  	[sflag:s28] =	ssyncset.done $0x0  }
0x49: {  	[sflag:s28] =	ssyncadd.s32 $0xFFFFC000  }
0x4a: {  	[spmem:s2] =	stream.indirect.scatter.add.f32 [tilespmem:s18], [sflag:$0x2], $0x80, s21, s26, $0xb8;
	[tilespmem:$0x18100] =	vst v63  }
0x4b: {  	_ =	swait.ge [sflag:s19], $0x4000  }
0x4c: {  	s31 =	simm.s32 $0x20;
	s30 =	simm.s32 $0x10;
	[sflag:s19] =	ssyncset.done $0x0  }
.LBB2_4:
0x4d: {  	s0 =	sadd.s32 s30, s17  }
0x4e: {  	[sflag:s19] =	ssyncadd.s32 $0xFFFFC000;
	s1 =	smov.u32 s31;
	s6 =	sadd.s32 $0x10, s31  }
0x4f: {  	[tilespmem:s20], [sflag:$0x2] =	stream.linear.gather [hbm4b:s0+s3], $0x80, $0x38;
	[tilespmem:$0x18100] =	vst v63  }
0x50: {  	p0 =	sne.s32 s31, $0x9C0;
	_ =	swait.ge [sflag:s19], $0x80  }
0x51: {  	[sflag:s19] =	ssyncset.done $0x0  }
0x52: {  	s0 =	sadd.s32 s30, s16;
	s30 =	smov.u32 s1;
	[sflag:s19] =	ssyncadd.s32 $0xFFFFFF80  }
0x53: {  	[tilespmem:s21], [sflag:$0x2] =	stream.linear.gather [hbm4b:s0+s3], $0x80, $0x38;
	[tilespmem:$0x18100] =	vst v63  }
0x54: {  	_ =	swait.ge [sflag:s19], $0x80  }
0x55: {  	[sflag:s19] =	ssyncset.done $0x0  }
0x56: {  	[sflag:s19] =	ssyncadd.s32 $0xFFFFFF80  }
0x57: {  	[tilespmem:s18], [sflag:$0x1] =	stream.indirect.gather [hbm4b:s4+s26], $0x80, s20, s26, $0xb8;
	[tilespmem:$0x18100] =	vst v63  }
0x58: {  	_ =	swait.ge [sflag:s28], $0x4000  }
.Ltmp1:
0x59: {  	[sflag:s28] =	ssyncset.done $0x0;
	(pc) =	sbr.rel @p0 .LBB2_4-.Ltmp1, $4  }
0x5a: {  	[sflag:s28] =	ssyncadd.s32 $0xFFFFC000  }
0x5b: {  	[spmem:s2] =	stream.indirect.scatter.add.f32 [tilespmem:s18], [sflag:$0x2], $0x80, s21, s26, $0xb8;
	[tilespmem:$0x18100] =	vst v63  }
0x5c: {  	_ =	swait.ge [sflag:s19], $0x4000  }
0x5d: {  	s31 =	smov.u32 s6;
	[sflag:s19] =	ssyncset.done $0x0  }
0x5e: {  	s0 =	sadd.s32 s30, s17;
	[sflag:s19] =	ssyncadd.s32 $0xFFFFC000  }
0x5f: {  	[tilespmem:s20], [sflag:$0x2] =	stream.linear.gather [hbm4b:s0+s3], $0x80, $0x38;
	[tilespmem:$0x18100] =	vst v63  }
0x60: {  	_ =	swait.ge [sflag:s19], $0x80  }
0x61: {  	[sflag:s19] =	ssyncset.done $0x0  }
0x62: {  	s30 =	sadd.s32 s30, s16;
	[sflag:s19] =	ssyncadd.s32 $0xFFFFFF80  }
0x63: {  	[tilespmem:s21], [sflag:$0x2] =	stream.linear.gather [hbm4b:s30+s3], $0x80, $0x38;
	[tilespmem:$0x18100] =	vst v63  }
0x64: {  	_ =	swait.ge [sflag:s19], $0x80  }
0x65: {  	[sflag:s19] =	ssyncset.done $0x0  }
0x66: {  	[sflag:s19] =	ssyncadd.s32 $0xFFFFFF80  }
0x67: {  	[tilespmem:s18], [sflag:$0x1] =	stream.indirect.gather [hbm4b:s4+s26], $0x80, s20, s26, $0xb8;
	[tilespmem:$0x18100] =	vst v63  }
0x68: {  	_ =	swait.ge [sflag:s28], $0x4000  }
0x69: {  	[sflag:s28] =	ssyncset.done $0x0  }
0x6a: {  	[sflag:s28] =	ssyncadd.s32 $0xFFFFC000  }
0x6b: {  	[spmem:s2] =	stream.indirect.scatter.add.f32 [tilespmem:s18], [sflag:$0x2], $0x80, s21, s26, $0xb8;
	[tilespmem:$0x18100] =	vst v63  }
0x6c: {  	_ =	swait.ge [sflag:s19], $0x4000  }
0x6d: {  	[sflag:s19] =	ssyncset.done $0x0  }
0x6e: {  	s31 =	stileid.u32;
	[sflag:s19] =	ssyncadd.s32 $0xFFFFC000  }
0x6f: {  	s0 =	sshll.u32 s31, $0x6;
	[bflag:$0x0] =	sbarrier.arrive $0xFFFF  }
0x70: {  	s1 =	sshrl.u32 s5, $0x3;
	s0 =	sor.u32 $0x1C02, s0;
	s6 =	rddreg [dreg:$0x3]  }
0x71: {  	[hbm:s6], [sflag:s0] =	dma.local [spmem:s1], $0x800  }
0x72: {  	_ =	swait.ge [sflag:s19], $0x800  }
0x73: {  	[sflag:s19] =	ssyncset.done $0x0  }
0x74: {  	[sflag:s19] =	ssyncadd.s32 $0xFFFFF800  }
0x75: {  	[hbm:s12], [sflag:s0] =	dma.local [spmem:s22], $0x800  }
0x76: {  	_ =	swait.ge [sflag:s19], $0x800  }
0x77: {  	[sflag:s19] =	ssyncset.done $0x0  }
0x78: {  	[sflag:s19] =	ssyncadd.s32 $0xFFFFF800  }
0x79: {  	[hbm:s13], [sflag:s0] =	dma.local [spmem:s23], $0x800  }
0x7a: {  	_ =	swait.ge [sflag:s19], $0x800  }
0x7b: {  	[sflag:s19] =	ssyncset.done $0x0  }
0x7c: {  	[sflag:s19] =	ssyncadd.s32 $0xFFFFF800  }
0x7d: {  	[hbm:s14], [sflag:s0] =	dma.local [spmem:s24], $0x800  }
0x7e: {  	s29 =	sadd.s32 $0x1, s29;
	_ =	swait.ge [sflag:s19], $0x800  }
0x7f: {  	p0 =	sne.s32 s29, s7;
	[sflag:s19] =	ssyncset.done $0x0  }
.Ltmp2:
0x80: {  	[sflag:s19] =	ssyncadd.s32 $0xFFFFF800;
	(pc) =	sbr.rel @p0 .LBB2_1-.Ltmp2, $4  }
0x81: {  	[hbm:s15], [sflag:s0] =	dma.local [spmem:s25], $0x800  }
0x82: {  	_ =	swait.ge [sflag:s19], $0x800  }
0x83: {  	[sflag:s19] =	ssyncset.done $0x0  }
0x84: {  	[sflag:s19] =	ssyncadd.s32 $0xFFFFF800  }
0x85: {  	_ =	sfence.sel $0x180000  }
0x86: {  	[bflag:$0x0] =	sbarrier.arrive $0xFFFF  }
0x87: {  	_ =	strace $0x9000004D  }
0x88: {  	s0 =	stileid.u32;
	[bflag:$0x2] =	sbarrier.arrive $0xFFFF  }
0x89: {  	p0 =	sne.s32 s0, $0x0;
	s0 =	rddreg [dreg:$0x2]  }
0x8a: {  	s0 =	sadd.s32 @!p0 $0x100000, s0  }
0x8b: {  	[sflag:s0] =	ssyncadd.tile.s32 @!p0 $0x1;
	_ =	shalt  }
.Lfunc_end2:
_tile_overlayer_lowered:
.L_overlay_start_2:
0x8c: {  	(tag) =	ssettag $0x2  }
0x8d: {  	s0 =	rddreg [dreg:$0x0];
	s2 =	stileid.u32  }
0x8e: {  	s1 =	rddreg [dreg:$0x1];
	p0 =	sne.s32 s2, $0x0  }
0x8f: {  	s3 =	rddreg [dreg:$0x2];
	[bflag:$0x3] =	sbarrier.arrive $0xFFFF;
	s2 =	simm.s32 @!p0 $0x1C02  }
0x90: {  	[timem:s3], [sflag:s2] =	dma.local @!p0 [hbm:s0], s1  }
0x91: {  	s0 =	simm.s32 @!p0 $0x2  }
0x92: {  	_ =	swait.ge @!p0 [sflag:s0], s1  }
0x93: {  	s1 =	ssub.s32 @!p0 $0x0, s1;
	[sflag:s0] =	ssyncset.done @!p0 $0x0  }
0x94: {  	[sflag:s0] =	ssyncadd.s32 @!p0 s1  }
0x95: {  	[bflag:$0x3] =	sbarrier.arrive $0xFFFF  }
0x96: {  	_ =	shalt  }

// kernel: kernel.20.cloned.1.call-start
scs
__scs_entry_jumppad:
0x0: {  	(pc) =	sbr.rel $0x88, $3  }
0x1: {  	(tag) =	ssettag $0x0;
	lr =	simm.s32 $0x1  }
0x2: {  	[smem:$0x3F97] =	sst lr;
	_ =	strace $0xD0000000  }
0x3: {  	_ = 	snop  }
0x4: {  	_ = 	snop  }
0x5: {  	_ = 	snop  }
0x6: {  	_ = 	snop  }
0x7: {  	_ = 	snop  }
__scs_overlays_trampoline_lowered:
0x8: {  	[smem:$0x3FA6] =	sst s0  }
0x9: {  	[smem:$0x3FA7] =	sst s1  }
0xa: {  	[smem:$0x3FA8] =	sst s2  }
0xb: {  	[smem:$0x3FA9] =	sst s3  }
0xc: {  	[smem:$0x3FAA] =	sst s4  }
0xd: {  	[smem:$0x3FAB] =	sst s5  }
0xe: {  	[smem:$0x3FAC] =	sst s6  }
0xf: {  	[smem:$0x3FAD] =	sst s7  }
0x10: {  	[smem:$0x3FAE] =	sst s8  }
0x11: {  	[smem:$0x3FAF] =	sst s9;
	s0 =	simm.s32 @!p0 $0x0  }
0x12: {  	s1 =	sld [smem:$0x3F95];
	s0 =	simm.s32 @p0 $0x1  }
0x13: {  	[smem:$0x3FB0] =	sst s0;
	s0 =	simm.s32 @!p1 $0x0  }
0x14: {  	s2 =	sld [smem:$0x3F94];
	s0 =	simm.s32 @p1 $0x1  }
0x15: {  	[smem:$0x3FB1] =	sst s0;
	s0 =	simm.s32 @!p2 $0x0  }
0x16: {  	s3 =	sld [smem:$0x3FDB];
	s0 =	simm.s32 @p2 $0x1  }
0x17: {  	s4 =	simm.s32 $0x1BF5;
	[smem:$0x3FB3] =	sst s0  }
0x18: {  	s0 =	sld [smem:$0x3F96];
	_ =	swait.ge [sflag:s4], $0x0  }
0x19: {  	s7 =	sld [smem:$0x3F97]  }
0x1a: {  	s8 =	sadd.s32 $0xFFFFE003, lr  }
0x1b: {  	s9 =	sadd.s32 $0xFFFFFEF7, lr;
	s5 =	simm.s32 $0xFFFFFFFF;
	p2 =	slt.u32 s8, $0xFFFFF086  }
0x1c: {  	p1 =	slt.u32 s9, $0xF7A;
	s5 =	simm.s32 @!p2 $0x0  }
0x1d: {  	s5 =	simm.s32 @p1 $0x1;
	p0 =	seq.s32 s7, s2  }
0x1e: {  	s7 =	smul.u32 @!p0 $0xF7A, s2;
	p2 =	seq.s32 @!p0 s5, $0x0  }
0x1f: {  	s9 =	smul.u32 $0xF7A, s1;
	s8 =	simm.s32 @!p0 $0x1BF5;
	p2 =	por !p2, p0  }
0x20: {  	[sflag:s8] =	ssyncset.s32 @!p0 $0xFFFFF086;
	s6 =	sadd.s32 @!p0 s3, s7;
	s7 =	simm.s32 @!p0 $0x108  }
0x21: {  	s3 =	sadd.s32 s3, s9;
	s6 =	sadd.s32 @!p0 $0x88, s6;
	s7 =	simm.s32 @p2 $0x1082  }
0x22: {  	[simem:s7], [sflag:s8] =	dma.local @!p0 [hbm:s6], $0xF7A  }
0x23: {  	s9 =	sor.u32 $0xD0000000, s2;
	s6 =	simm.s32 $0x108;
	_ =	swait.ge @!p0 [sflag:s8], $0x0  }
0x24: {  	s3 =	sadd.s32 $0x88, s3;
	s6 =	simm.s32 @!p1 $0x1082;
	[sflag:s4] =	ssyncset.s32 $0xFFFFF086  }
0x25: {  	[simem:s6], [sflag:s4] =	dma.local [hbm:s3], $0xF7A  }
0x26: {  	[smem:$0x3F97] =	sst s1;
	(tag) =	ssettag s2;
	_ =	strace s9  }
0x27: {  	s1 =	sld [smem:$0x3FA7]  }
0x28: {  	s2 =	sld [smem:$0x3FA8]  }
0x29: {  	s4 =	sld [smem:$0x3FAA]  }
0x2a: {  	p0 =	seq.s32 s5, $0x0;
	s5 =	sld [smem:$0x3FAB]  }
0x2b: {  	s6 =	sld [smem:$0x3FAC]  }
0x2c: {  	s7 =	sld [smem:$0x3FAD]  }
0x2d: {  	s3 =	simm.s32 $0x108;
	s8 =	sld [smem:$0x3FAE]  }
0x2e: {  	s3 =	simm.s32 @!p0 $0x1082;
	s9 =	sld [smem:$0x3FAF]  }
0x2f: {  	lr =	sadd.s32 s0, s3;
	s0 =	sld [smem:$0x3FA6]  }
0x30: {  	s3 =	sld [smem:$0x3FA9]  }
0x31: {  	[smem:$0x3FB2] =	sst s10  }
0x32: {  	s10 =	sld [smem:$0x3FB0];
	_ =	sdelay $0x3  }
0x33: {  	p0 =	seq.s32 s10, $0x1;
	s10 =	sld [smem:$0x3FB2];
	_ =	sdelay $0x3  }
0x34: {  	[smem:$0x3FB2] =	sst s10  }
0x35: {  	s10 =	sld [smem:$0x3FB1];
	_ =	sdelay $0x3  }
0x36: {  	p1 =	seq.s32 s10, $0x1;
	s10 =	sld [smem:$0x3FB2];
	_ =	sdelay $0x3  }
0x37: {  	[smem:$0x3FB2] =	sst s10  }
0x38: {  	s10 =	sld [smem:$0x3FB3]  }
0x39: {  	_ = 	snop;
	(pc) =	sbr.ind lr, $3  }
0x3a: {  	_ = 	snop  }
0x3b: {  	_ = 	snop  }
0x3c: {  	p2 =	seq.s32 s10, $0x1;
	s10 =	sld [smem:$0x3FB2]  }
0x3d: {  	_ =	shalt  }
0x3e: {  	_ =	shalt  }
0x3f: {  	_ =	shalt  }
0x40: {  	_ =	shalt  }
0x41: {  	_ =	shalt  }
0x42: {  	_ =	shalt  }
0x43: {  	_ =	shalt  }
0x44: {  	_ =	shalt  }
0x45: {  	_ =	shalt  }
0x46: {  	_ =	shalt  }
0x47: {  	_ =	shalt  }
0x48: {  	_ =	shalt  }
0x49: {  	_ =	shalt  }
0x4a: {  	_ =	shalt  }
0x4b: {  	_ =	shalt  }
0x4c: {  	_ =	shalt  }
0x4d: {  	_ =	shalt  }
0x4e: {  	_ =	shalt  }
0x4f: {  	_ =	shalt  }
0x50: {  	_ =	shalt  }
0x51: {  	_ =	shalt  }
0x52: {  	_ =	shalt  }
0x53: {  	_ =	shalt  }
0x54: {  	_ =	shalt  }
0x55: {  	_ =	shalt  }
0x56: {  	_ =	shalt  }
0x57: {  	_ =	shalt  }
0x58: {  	_ =	shalt  }
0x59: {  	_ =	shalt  }
0x5a: {  	_ =	shalt  }
0x5b: {  	_ =	shalt  }
0x5c: {  	_ =	shalt  }
0x5d: {  	_ =	shalt  }
0x5e: {  	_ =	shalt  }
0x5f: {  	_ =	shalt  }
0x60: {  	_ =	shalt  }
0x61: {  	_ =	shalt  }
0x62: {  	_ =	shalt  }
0x63: {  	_ =	shalt  }
0x64: {  	_ =	shalt  }
0x65: {  	_ =	shalt  }
0x66: {  	_ =	shalt  }
0x67: {  	_ =	shalt  }
0x68: {  	_ =	shalt  }
0x69: {  	_ =	shalt  }
0x6a: {  	_ =	shalt  }
0x6b: {  	_ =	shalt  }
0x6c: {  	_ =	shalt  }
0x6d: {  	_ =	shalt  }
0x6e: {  	_ =	shalt  }
0x6f: {  	_ =	shalt  }
0x70: {  	_ =	shalt  }
0x71: {  	_ =	shalt  }
0x72: {  	_ =	shalt  }
0x73: {  	_ =	shalt  }
0x74: {  	_ =	shalt  }
0x75: {  	_ =	shalt  }
0x76: {  	_ =	shalt  }
0x77: {  	_ =	shalt  }
0x78: {  	_ =	shalt  }
0x79: {  	_ =	shalt  }
0x7a: {  	_ =	shalt  }
0x7b: {  	_ =	shalt  }
0x7c: {  	_ =	shalt  }
0x7d: {  	_ =	shalt  }
0x7e: {  	_ =	shalt  }
0x7f: {  	_ =	shalt  }
0x80: {  	_ =	shalt  }
0x81: {  	_ =	shalt  }
0x82: {  	_ =	shalt  }
0x83: {  	_ =	shalt  }
0x84: {  	_ =	shalt  }
0x85: {  	_ =	shalt  }
0x86: {  	_ =	shalt  }
0x87: {  	_ =	shalt  }
.Lfunc_end0:
.L_simem_size_0:
called_computation.3_lowered:
.L_overlay_start_0:
0x88: {  	s2 =	sld [smem:$0x3FD9]  }
0x89: {  	s3 =	sld [smem:$0x3FFE];
	_ =	sdelay $0x1  }
0x8a: {  	s1 =	srdreg.scid  }
0x8b: {  	s0 =	sand.u32 $0x1, s1  }
0x8c: {  	s16 =	sshll.u32 s0, $0xA;
	s2 =	sadd.s32 s3, s2  }
0x8d: {  	s2 =	sadd.s32 s2, s16  }
0x8e: {  	[smem:$0x3FBE] =	sst s2  }
0x8f: {  	_ = 	snop  }
0x90: {  	(tm) =	ssettm $0x1  }
0x91: {  	s17 =	sld [smem:$0x3FFB];
	_ =	sdelay $0x3  }
0x92: {  	_ =	strace s17  }
0x93: {  	s2 =	sld [smem:$0x3FFC];
	_ =	sdelay $0x3  }
0x94: {  	_ =	strace s2  }
0x95: {  	s2 =	sld [smem:$0x3FFD];
	_ =	sdelay $0x3  }
0x96: {  	_ =	strace s2  }
0x97: {  	_ =	strace $0x8FFFFFFF  }
0x98: {  	s18 =	sld [smem:$0x3FDB];
	_ =	sdelay $0x1  }
0x99: {  	s19 =	simm.s32 $_scs_section_size  }
0x9a: {  	s4 =	simm.s32 $_size__tile_overlayer_lowered;
	s5 =	simm.s32 $_tile_overlayer_lowered  }
0x9b: {  	s22 =	simm.s32 $0x1BFF;
	s21 =	sshll.u32 s5, $0x1;
	s2 =	sadd.s32 s19, s18  }
0x9c: {  	s6 =	simm.s32 $0x0;
	s20 =	sshll.u32 s4, $0x1;
	s4 =	sadd.s32 s21, s2  }
0x9d: {  	[timem:s6], [sflag:s22] =	dma.local [hbm:s4], s20  }
0x9e: {  	_ =	swait.ge [sflag:s22], s20  }
0x9f: {  	s3 =	ssub.s32 $0x0, s20;
	[sflag:s22] =	ssyncset.done $0x0  }
0xa0: {  	[sflag:s22] =	ssyncadd.s32 s3;
	_ =	sdelay $0x1  }
0xa1: {  	s23 =	simm.s32 $0x1B8B  }
0xa2: {  	_ =	swait.ge [sflag:s23], $0x1  }
0xa3: {  	[sflag:s23] =	ssyncset.done $0x0  }
0xa4: {  	s25 =	simm.s32 $0x1B8E;
	s24 =	sld [smem:$0x3FFE];
	[sflag:s23] =	ssyncadd.s32 $0xFFFFFFFF  }
0xa5: {  	s26 =	simm.s32 $execute0_lowered;
	[smem:$0x3FD2] =	sst s25  }
0xa6: {  	s4 =	sshll.u32 s26, $0x1;
	_ =	strace $0x8000004F;
	[dreg:$0x1] =	wrdreg $0xFFFFFFFF  }
0xa7: {  	s28 =	simm.s32 $_size_execute0_lowered;
	s2 =	sadd.s32 s2, s4;
	[dreg:$0x0] =	wrdreg $0x0  }
0xa8: {  	s4 =	sshll.u32 s28, $0x1;
	[dreg:$0x2] =	wrdreg s2  }
0xa9: {  	[dreg:$0x3] =	wrdreg s4  }
0xaa: {  	[dreg:$0x4] =	wrdreg $0xC0  }
0xab: {  	_ =	task [dreg:s6], $0x5FFFF  }
0xac: {  	[dreg:$0x1] =	wrdreg $0xFFFFFFFF  }
0xad: {  	[dreg:$0x0] =	wrdreg $0x60  }
0xae: {  	[dreg:$0x2] =	wrdreg s24  }
0xaf: {  	[dreg:$0x3] =	wrdreg $0x0  }
0xb0: {  	[dreg:$0x4] =	wrdreg $0x9  }
0xb1: {  	_ =	task.clear_ibuf [dreg:s6], $0x5FFFF;
	_ =	strace $0x9000004F  }
0xb2: {  	s29 =	simm.s32 $0x9;
	_ =	strace $0x80000051  }
0xb3: {  	_ =	swait.ge [sflag:s29], $0x1  }
0xb4: {  	[sflag:s29] =	ssyncadd.s32 $0xFFFFFFFF  }
0xb5: {  	_ =	strace $0x90000051  }
0xb6: {  	_ =	sfence  }
0xb7: {  	s30 =	sld [smem:$0x0];
	_ =	sdelay $0x2  }
0xb8: {  	s31 =	sshll.u32 s1, $0xD;
	s1 =	sshrl.u32 s1, $0x2  }
0xb9: {  	s3 =	sand.u32 $0x4000, s31;
	s1 =	sadd.s32 s1, s30  }
0xba: {  	s0 =	sor.u32 s3, s0;
	s1 =	sshll.u32 s1, $0x11  }
0xbb: {  	s0 =	sor.u32 s1, s0  }
0xbc: {  	s0 =	sadd.s32 $0x8F2B, s0  }
0xbd: {  	[sflag:s0] =	ssyncadd.remote.s32 $0x1  }
0xbe: {  	_ =	sfence.sel $0xFFFF  }
0xbf: {  	[dreg:$0x0] =	wrdreg $0xFFFFFFFF;
	(pc) =	sbr.abs _section_cstart, $3  }
0xc0: {  	[dreg:$0x1] =	wrdreg $0xFFFFFFFF  }
0xc1: {  	_ =	task.clear_ibuf [dreg:s6], $0x2FFFF;
	_ =	strace $0x9FFFFFFF  }
0xc2: {  	(tm) =	ssettm $0x7FFFFFFF  }
0xc3: {  	_ =	shalt  }
tec
execute0_lowered:
.L_overlay_start_1:
0x0: {  	(tag) =	ssettag $0x1  }
0x1: {  	s5 =	rddreg [dreg:$0x0];
	s0 =	srdreg.scid  }
0x2: {  	s2 =	rddreg [dreg:$0x1];
	s31 =	stileid.u32;
	s3 =	simm.s32 $0x0  }
0x3: {  	s28 =	simm.s32 $0x1;
	s29 =	simm.s32 $0x0;
	s8 =	smul.u32 $0x50000, s31  }
0x4: {  	s6 =	sand.u32 $0x1, s0;
	[smem:$0x7FF] =	sst s3;
	s14 =	smul.u32 $0x280, s31  }
0x5: {  	s4 =	sadd.s32 $0xA2A00, s5;
	s17 =	sadd.s32 $0x52A00, s5;
	s7 =	smul.u32 $0x9D00, s6  }
0x6: {  	_ =	strace $0x80000050;
	s15 =	smul.u32 $0x2800, s6;
	s21 =	ssub.s32 $0x2, s6  }
0x7: {  	s6 =	sshrl.u32 s21, $0x1;
	s22 =	sshrl.u32 s8, $0x2;
	s12 =	sadd.s32 $0x80, s14  }
0x8: {  	s25 =	sadd.s32 $0x100, s14;
	s26 =	sadd.s32 $0x180, s14;
	s20 =	sadd.s32 $0x200, s14  }
0x9: {  	s16 =	sadd.s32 s7, s5;
	s23 =	sadd.s32 s15, s14;
	s9 =	ssub.s32 s21, s6  }
0xa: {  	s5 =	sadd.s32 s22, s2;
	s13 =	sshll.u32 s12, $0x7;
	s12 =	sadd.s32 s15, s12  }
0xb: {  	s18 =	sshll.u32 s25, $0x7;
	s19 =	sshll.u32 s26, $0x7;
	s21 =	smul.u32 $0x9D0, s31  }
0xc: {  	s30 =	sshll.u32 s20, $0x7;
	s24 =	sshll.u32 s23, $0x4;
	s7 =	smax.u32 s9, $0x1  }
0xd: {  	s8 =	sadd.s32 $0x4000, s5;
	s9 =	sadd.s32 $0x8000, s5;
	s10 =	sadd.s32 $0xC000, s5  }
0xe: {  	s11 =	sadd.s32 $0x10000, s5;
	s22 =	sadd.s32 s13, s2;
	s12 =	sshll.u32 s12, $0x4  }
0xf: {  	s13 =	sadd.s32 s15, s25;
	s23 =	sadd.s32 s18, s2;
	s18 =	sadd.s32 s15, s26  }
0x10: {  	s15 =	sadd.s32 s15, s20;
	s25 =	sadd.s32 s30, s2;
	s20 =	simm.s32 $0x14000  }
0x11: {  	s26 =	simm.s32 $0x80;
	s1 =	sadd.s32 s17, s24;
	s12 =	sadd.s32 s17, s12  }
0x12: {  	s13 =	sshll.u32 s13, $0x4;
	s18 =	sshll.u32 s18, $0x4;
	s24 =	sadd.s32 s19, s2  }
0x13: {  	s15 =	sshll.u32 s15, $0x4;
	s31 =	sadd.s32 s21, s16;
	s19 =	simm.s32 $0x2  }
0x14: {  	s21 =	simm.s32 $0x14080;
	s22 =	sshrl.u32 s22, $0x3;
	s23 =	sshrl.u32 s23, $0x3  }
0x15: {  	s25 =	sshrl.u32 s25, $0x3;
	[dreg:$0x3] =	wrdreg s1;
	s13 =	sadd.s32 s17, s13  }
0x16: {  	s14 =	sadd.s32 s17, s18;
	s15 =	sadd.s32 s17, s15;
	s16 =	sadd.s32 $0x17600, s31  }
0x17: {  	v0 =	vimm.f32 $0.0e+00;
	s17 =	sadd.s32 $0x3F000, s31;
	s18 =	simm.s32 $0x14100;
	s24 =	sshrl.u32 s24, $0x3  }
.LBB2_1:
0x18: {  	s30 =	simm.s32 $0x0;
	s31 =	simm.s32 $0x200  }
.LBB2_2:
0x19: {  	p0 =	sne.s32 s31, $0xFE00;
	[tilespmem:s30+$0x14170] =	vst v0  }
0x1a: {  	[tilespmem:s30+$0x14100] =	vst v0  }
0x1b: {  	[tilespmem:s30+$0x14110] =	vst v0  }
.Ltmp0:
0x1c: {  	[tilespmem:s30+$0x14120] =	vst v0;
	(pc) =	sbr.rel @p0 .LBB2_2-.Ltmp0, $4  }
0x1d: {  	[tilespmem:s30+$0x14130] =	vst v0  }
0x1e: {  	[tilespmem:s30+$0x14140] =	vst v0  }
0x1f: {  	[tilespmem:s30+$0x14150] =	vst v0  }
0x20: {  	[tilespmem:s30+$0x14160] =	vst v0;
	s30 =	sshra.s32 s31, $0x2;
	s31 =	sadd.s32 $0x200, s31  }
0x21: {  	[tilespmem:s30+$0x14170] =	vst v0  }
0x22: {  	[tilespmem:s30+$0x14100] =	vst v0  }
0x23: {  	[tilespmem:s30+$0x14110] =	vst v0  }
0x24: {  	[tilespmem:s30+$0x14120] =	vst v0  }
0x25: {  	[tilespmem:s30+$0x14130] =	vst v0  }
0x26: {  	[tilespmem:s30+$0x14140] =	vst v0  }
0x27: {  	[tilespmem:s30+$0x14150] =	vst v0  }
0x28: {  	[tilespmem:s30+$0x14160] =	vst v0  }
0x29: {  	[spmem:s5] =	stream.linear.scatter [tilespmem:s18], [sflag:$0x2], $0x4000, $0x38;
	[tilespmem:$0x18100] =	vst v63  }
0x2a: {  	_ =	swait.ge [sflag:s19], $0x4000  }
0x2b: {  	[sflag:s19] =	ssyncset.done $0x0  }
0x2c: {  	[sflag:s19] =	ssyncadd.s32 $0xFFFFC000  }
0x2d: {  	[spmem:s8] =	stream.linear.scatter [tilespmem:s18], [sflag:$0x2], $0x4000, $0x38;
	[tilespmem:$0x18100] =	vst v63  }
0x2e: {  	_ =	swait.ge [sflag:s19], $0x4000  }
0x2f: {  	[sflag:s19] =	ssyncset.done $0x0  }
0x30: {  	[sflag:s19] =	ssyncadd.s32 $0xFFFFC000  }
0x31: {  	[spmem:s9] =	stream.linear.scatter [tilespmem:s18], [sflag:$0x2], $0x4000, $0x38;
	[tilespmem:$0x18100] =	vst v63  }
0x32: {  	_ =	swait.ge [sflag:s19], $0x4000  }
0x33: {  	[sflag:s19] =	ssyncset.done $0x0  }
0x34: {  	[sflag:s19] =	ssyncadd.s32 $0xFFFFC000  }
0x35: {  	[spmem:s10] =	stream.linear.scatter [tilespmem:s18], [sflag:$0x2], $0x4000, $0x38;
	[tilespmem:$0x18100] =	vst v63  }
0x36: {  	_ =	swait.ge [sflag:s19], $0x4000  }
0x37: {  	[sflag:s19] =	ssyncset.done $0x0  }
0x38: {  	[sflag:s19] =	ssyncadd.s32 $0xFFFFC000  }
0x39: {  	[spmem:s11] =	stream.linear.scatter [tilespmem:s18], [sflag:$0x2], $0x4000, $0x38;
	[tilespmem:$0x18100] =	vst v63  }
0x3a: {  	_ =	swait.ge [sflag:s19], $0x4000  }
0x3b: {  	[sflag:s19] =	ssyncset.done $0x0  }
0x3c: {  	[sflag:s19] =	ssyncadd.s32 $0xFFFFC000  }
0x3d: {  	s30 =	sadd.s32 $0x0, s17;
	[bflag:$0x0] =	sbarrier.arrive $0xFFFF  }
0x3e: {  	[tilespmem:s20], [sflag:$0x2] =	stream.linear.gather [hbm4b:s30+s3], $0x80, $0x38;
	[tilespmem:$0x18100] =	vst v63  }
0x3f: {  	_ =	swait.ge [sflag:s19], $0x80  }
0x40: {  	[sflag:s19] =	ssyncset.done $0x0  }
0x41: {  	s30 =	sadd.s32 $0x0, s16;
	[sflag:s19] =	ssyncadd.s32 $0xFFFFFF80  }
0x42: {  	[tilespmem:s21], [sflag:$0x2] =	stream.linear.gather [hbm4b:s30+s3], $0x80, $0x38;
	[tilespmem:$0x18100] =	vst v63  }
0x43: {  	_ =	swait.ge [sflag:s19], $0x80  }
0x44: {  	[sflag:s19] =	ssyncset.done $0x0  }
0x45: {  	[sflag:s19] =	ssyncadd.s32 $0xFFFFFF80  }
0x46: {  	[tilespmem:s18], [sflag:$0x1] =	stream.indirect.gather [hbm4b:s4+s26], $0x80, s20, s26, $0xb8;
	[tilespmem:$0x18100] =	vst v63  }
0x47: {  	_ =	swait.ge [sflag:s28], $0x4000  }
0x48: {  	[sflag:s28] =	ssyncset.done $0x0  }
0x49: {  	[sflag:s28] =	ssyncadd.s32 $0xFFFFC000  }
0x4a: {  	[spmem:s2] =	stream.indirect.scatter.add.f32 [tilespmem:s18], [sflag:$0x2], $0x80, s21, s26, $0xb8;
	[tilespmem:$0x18100] =	vst v63  }
0x4b: {  	_ =	swait.ge [sflag:s19], $0x4000  }
0x4c: {  	s31 =	simm.s32 $0x20;
	s30 =	simm.s32 $0x10;
	[sflag:s19] =	ssyncset.done $0x0  }
.LBB2_4:
0x4d: {  	s0 =	sadd.s32 s30, s17  }
0x4e: {  	[sflag:s19] =	ssyncadd.s32 $0xFFFFC000;
	s1 =	smov.u32 s31;
	s6 =	sadd.s32 $0x10, s31  }
0x4f: {  	[tilespmem:s20], [sflag:$0x2] =	stream.linear.gather [hbm4b:s0+s3], $0x80, $0x38;
	[tilespmem:$0x18100] =	vst v63  }
0x50: {  	p0 =	sne.s32 s31, $0x9C0;
	_ =	swait.ge [sflag:s19], $0x80  }
0x51: {  	[sflag:s19] =	ssyncset.done $0x0  }
0x52: {  	s0 =	sadd.s32 s30, s16;
	s30 =	smov.u32 s1;
	[sflag:s19] =	ssyncadd.s32 $0xFFFFFF80  }
0x53: {  	[tilespmem:s21], [sflag:$0x2] =	stream.linear.gather [hbm4b:s0+s3], $0x80, $0x38;
	[tilespmem:$0x18100] =	vst v63  }
0x54: {  	_ =	swait.ge [sflag:s19], $0x80  }
0x55: {  	[sflag:s19] =	ssyncset.done $0x0  }
0x56: {  	[sflag:s19] =	ssyncadd.s32 $0xFFFFFF80  }
0x57: {  	[tilespmem:s18], [sflag:$0x1] =	stream.indirect.gather [hbm4b:s4+s26], $0x80, s20, s26, $0xb8;
	[tilespmem:$0x18100] =	vst v63  }
0x58: {  	_ =	swait.ge [sflag:s28], $0x4000  }
.Ltmp1:
0x59: {  	[sflag:s28] =	ssyncset.done $0x0;
	(pc) =	sbr.rel @p0 .LBB2_4-.Ltmp1, $4  }
0x5a: {  	[sflag:s28] =	ssyncadd.s32 $0xFFFFC000  }
0x5b: {  	[spmem:s2] =	stream.indirect.scatter.add.f32 [tilespmem:s18], [sflag:$0x2], $0x80, s21, s26, $0xb8;
	[tilespmem:$0x18100] =	vst v63  }
0x5c: {  	_ =	swait.ge [sflag:s19], $0x4000  }
0x5d: {  	s31 =	smov.u32 s6;
	[sflag:s19] =	ssyncset.done $0x0  }
0x5e: {  	s0 =	sadd.s32 s30, s17;
	[sflag:s19] =	ssyncadd.s32 $0xFFFFC000  }
0x5f: {  	[tilespmem:s20], [sflag:$0x2] =	stream.linear.gather [hbm4b:s0+s3], $0x80, $0x38;
	[tilespmem:$0x18100] =	vst v63  }
0x60: {  	_ =	swait.ge [sflag:s19], $0x80  }
0x61: {  	[sflag:s19] =	ssyncset.done $0x0  }
0x62: {  	s30 =	sadd.s32 s30, s16;
	[sflag:s19] =	ssyncadd.s32 $0xFFFFFF80  }
0x63: {  	[tilespmem:s21], [sflag:$0x2] =	stream.linear.gather [hbm4b:s30+s3], $0x80, $0x38;
	[tilespmem:$0x18100] =	vst v63  }
0x64: {  	_ =	swait.ge [sflag:s19], $0x80  }
0x65: {  	[sflag:s19] =	ssyncset.done $0x0  }
0x66: {  	[sflag:s19] =	ssyncadd.s32 $0xFFFFFF80  }
0x67: {  	[tilespmem:s18], [sflag:$0x1] =	stream.indirect.gather [hbm4b:s4+s26], $0x80, s20, s26, $0xb8;
	[tilespmem:$0x18100] =	vst v63  }
0x68: {  	_ =	swait.ge [sflag:s28], $0x4000  }
0x69: {  	[sflag:s28] =	ssyncset.done $0x0  }
0x6a: {  	[sflag:s28] =	ssyncadd.s32 $0xFFFFC000  }
0x6b: {  	[spmem:s2] =	stream.indirect.scatter.add.f32 [tilespmem:s18], [sflag:$0x2], $0x80, s21, s26, $0xb8;
	[tilespmem:$0x18100] =	vst v63  }
0x6c: {  	_ =	swait.ge [sflag:s19], $0x4000  }
0x6d: {  	[sflag:s19] =	ssyncset.done $0x0  }
0x6e: {  	s31 =	stileid.u32;
	[sflag:s19] =	ssyncadd.s32 $0xFFFFC000  }
0x6f: {  	s0 =	sshll.u32 s31, $0x6;
	[bflag:$0x0] =	sbarrier.arrive $0xFFFF  }
0x70: {  	s1 =	sshrl.u32 s5, $0x3;
	s0 =	sor.u32 $0x1C02, s0;
	s6 =	rddreg [dreg:$0x3]  }
0x71: {  	[hbm:s6], [sflag:s0] =	dma.local [spmem:s1], $0x800  }
0x72: {  	_ =	swait.ge [sflag:s19], $0x800  }
0x73: {  	[sflag:s19] =	ssyncset.done $0x0  }
0x74: {  	[sflag:s19] =	ssyncadd.s32 $0xFFFFF800  }
0x75: {  	[hbm:s12], [sflag:s0] =	dma.local [spmem:s22], $0x800  }
0x76: {  	_ =	swait.ge [sflag:s19], $0x800  }
0x77: {  	[sflag:s19] =	ssyncset.done $0x0  }
0x78: {  	[sflag:s19] =	ssyncadd.s32 $0xFFFFF800  }
0x79: {  	[hbm:s13], [sflag:s0] =	dma.local [spmem:s23], $0x800  }
0x7a: {  	_ =	swait.ge [sflag:s19], $0x800  }
0x7b: {  	[sflag:s19] =	ssyncset.done $0x0  }
0x7c: {  	[sflag:s19] =	ssyncadd.s32 $0xFFFFF800  }
0x7d: {  	[hbm:s14], [sflag:s0] =	dma.local [spmem:s24], $0x800  }
0x7e: {  	s29 =	sadd.s32 $0x1, s29;
	_ =	swait.ge [sflag:s19], $0x800  }
0x7f: {  	p0 =	sne.s32 s29, s7;
	[sflag:s19] =	ssyncset.done $0x0  }
.Ltmp2:
0x80: {  	[sflag:s19] =	ssyncadd.s32 $0xFFFFF800;
	(pc) =	sbr.rel @p0 .LBB2_1-.Ltmp2, $4  }
0x81: {  	[hbm:s15], [sflag:s0] =	dma.local [spmem:s25], $0x800  }
0x82: {  	_ =	swait.ge [sflag:s19], $0x800  }
0x83: {  	[sflag:s19] =	ssyncset.done $0x0  }
0x84: {  	[sflag:s19] =	ssyncadd.s32 $0xFFFFF800  }
0x85: {  	_ =	sfence.sel $0x180000  }
0x86: {  	[bflag:$0x0] =	sbarrier.arrive $0xFFFF  }
0x87: {  	_ =	strace $0x90000050  }
0x88: {  	s0 =	stileid.u32;
	[bflag:$0x2] =	sbarrier.arrive $0xFFFF  }
0x89: {  	p0 =	sne.s32 s0, $0x0;
	s0 =	rddreg [dreg:$0x2]  }
0x8a: {  	s0 =	sadd.s32 @!p0 $0x100000, s0  }
0x8b: {  	[sflag:s0] =	ssyncadd.tile.s32 @!p0 $0x1;
	_ =	shalt  }
.Lfunc_end2:
_tile_overlayer_lowered:
.L_overlay_start_2:
0x8c: {  	(tag) =	ssettag $0x2  }
0x8d: {  	s0 =	rddreg [dreg:$0x0];
	s2 =	stileid.u32  }
0x8e: {  	s1 =	rddreg [dreg:$0x1];
	p0 =	sne.s32 s2, $0x0  }
0x8f: {  	s3 =	rddreg [dreg:$0x2];
	[bflag:$0x3] =	sbarrier.arrive $0xFFFF;
	s2 =	simm.s32 @!p0 $0x1C02  }
0x90: {  	[timem:s3], [sflag:s2] =	dma.local @!p0 [hbm:s0], s1  }
0x91: {  	s0 =	simm.s32 @!p0 $0x2  }
0x92: {  	_ =	swait.ge @!p0 [sflag:s0], s1  }
0x93: {  	s1 =	ssub.s32 @!p0 $0x0, s1;
	[sflag:s0] =	ssyncset.done @!p0 $0x0  }
0x94: {  	[sflag:s0] =	ssyncadd.s32 @!p0 s1  }
0x95: {  	[bflag:$0x3] =	sbarrier.arrive $0xFFFF  }
0x96: {  	_ =	shalt  }

</sc_bundles>
